<compile_context>
chip_gen: v7x
topology: tpu7x:2x2x1
jax: 0.10.2.dev20260603
libtpu: 0.0.44.dev20260713+nightly
codegen_flags: <defaults>
</compile_context>

<pallas_src>
import functools

import jax
import jax.numpy as jnp
from jax import lax
from jax.experimental import pallas as pl
from jax.experimental.pallas import tpu as pltpu
from jax.experimental.pallas import tpu_sc as plsc

CB = 8192
DIM = 256
FLAT = 16384
BM = 1024
NSTEPS = FLAT // BM
NUMEL = FLAT * DIM

NCH = 8
CHN = CB // NCH


def _dist_argmin_body(x_ref, emb_ref, xsq_ref, esq_ref, locf_ref, idx_ref,
                      loss_ref):
    i = pl.program_id(0)

    @pl.when(i == 0)
    def _init():
        loss_ref[...] = jnp.zeros((1, 1), jnp.float32)

    x = x_ref[...]
    x2 = x + x
    xsq = xsq_ref[...]
    runmin = jnp.full((BM, 1), jnp.inf, jnp.float32)
    runidx = jnp.zeros((BM, 1), jnp.int32)
    for c in range(NCH):
        dot2 = lax.dot_general(
            x2, emb_ref[pl.ds(c * CHN, CHN), :],
            dimension_numbers=(((1,), (1,)), ((), ())),
            preferred_element_type=jnp.float32)
        dist = (xsq - dot2) + esq_ref[:, pl.ds(c * CHN, CHN)]
        cmin = jnp.min(dist, axis=1, keepdims=True)
        fidx = jnp.min(
            jnp.where(dist == cmin, locf_ref[:, pl.ds(c * CHN, CHN)],
                      jnp.inf),
            axis=1, keepdims=True)
        cidx = fidx.astype(jnp.int32)
        take = cmin < runmin
        runidx = jnp.where(take, cidx, runidx)
        runmin = jnp.where(take, cmin, runmin)
    idx_ref[...] = runidx
    loss_ref[...] = loss_ref[...] + jnp.sum(runmin, axis=0, keepdims=True)

    @pl.when(i == NSTEPS - 1)
    def _fin():
        loss_ref[...] = loss_ref[...] * (2.0 / NUMEL)


_dist_argmin = pl.pallas_call(
    _dist_argmin_body,
    grid=(NSTEPS,),
    in_specs=[
        pl.BlockSpec((BM, DIM), lambda i: (i, 0)),
        pl.BlockSpec((CB, DIM), lambda i: (0, 0)),
        pl.BlockSpec((BM, 1), lambda i: (i, 0)),
        pl.BlockSpec((1, CB), lambda i: (0, 0)),
        pl.BlockSpec((1, CB), lambda i: (0, 0)),
    ],
    out_specs=[
        pl.BlockSpec((BM, 1), lambda i: (i, 0)),
        pl.BlockSpec((1, 1), lambda i: (0, 0)),
    ],
    out_shape=[
        jax.ShapeDtypeStruct((FLAT, 1), jnp.int32),
        jax.ShapeDtypeStruct((1, 1), jnp.float32),
    ],
)


_NW = 32
_BPW = FLAT // _NW
_CH = 128

_sc_mesh = plsc.VectorSubcoreMesh(core_axis_name="c", subcore_axis_name="s")


@functools.partial(
    pl.kernel,
    mesh=_sc_mesh,
    out_type=jax.ShapeDtypeStruct((FLAT, DIM), jnp.float32),
    scratch_types=[
        pltpu.VMEM((_CH,), jnp.int32),
        pltpu.VMEM((_CH,), jnp.int32),
        pltpu.VMEM((_CH, DIM), jnp.float32),
        pltpu.VMEM((_CH, DIM), jnp.float32),
        pltpu.SemaphoreType.DMA,
        pltpu.SemaphoreType.DMA,
        pltpu.SemaphoreType.DMA,
        pltpu.SemaphoreType.DMA,
    ],
)
def _sc_gather(emb_hbm, idx_hbm, out_hbm, idxa, idxb, rowsa, rowsb,
               sa, sb, soa, sob):
    wid = lax.axis_index("s") * 2 + lax.axis_index("c")
    base = wid * _BPW
    c0, c1, c2, c3 = base, base + _CH, base + 2 * _CH, base + 3 * _CH
    pltpu.sync_copy(idx_hbm.at[pl.ds(c0, _CH)], idxa)
    g0 = pltpu.async_copy(emb_hbm.at[idxa], rowsa, sa)
    pltpu.sync_copy(idx_hbm.at[pl.ds(c1, _CH)], idxb)
    g1 = pltpu.async_copy(emb_hbm.at[idxb], rowsb, sb)
    g0.wait()
    o0 = pltpu.async_copy(rowsa, out_hbm.at[pl.ds(c0, _CH)], soa)
    g1.wait()
    o1 = pltpu.async_copy(rowsb, out_hbm.at[pl.ds(c1, _CH)], sob)
    o0.wait()
    pltpu.sync_copy(idx_hbm.at[pl.ds(c2, _CH)], idxa)
    g2 = pltpu.async_copy(emb_hbm.at[idxa], rowsa, sa)
    o1.wait()
    pltpu.sync_copy(idx_hbm.at[pl.ds(c3, _CH)], idxb)
    g3 = pltpu.async_copy(emb_hbm.at[idxb], rowsb, sb)
    g2.wait()
    o2 = pltpu.async_copy(rowsa, out_hbm.at[pl.ds(c2, _CH)], soa)
    g3.wait()
    o3 = pltpu.async_copy(rowsb, out_hbm.at[pl.ds(c3, _CH)], sob)
    o2.wait()
    o3.wait()


def kernel(x, embedding):
    flat = x.reshape(FLAT, DIM)
    xsq = jnp.sum(flat * flat, axis=1, keepdims=True)
    esq = jnp.sum(embedding * embedding, axis=1).reshape(1, CB)
    locf = jnp.arange(CB, dtype=jnp.float32).reshape(1, CB)
    idx_col, loss2d = _dist_argmin(flat, embedding, xsq, esq, locf)
    idx_flat = idx_col.reshape(FLAT)
    quant = _sc_gather(embedding, idx_flat)
    quantized_st = quant.reshape(x.shape)
    indices = idx_flat.reshape(x.shape[:-1])
    loss = loss2d.reshape(())
    return quantized_st, indices, loss

# --- scband reference (transcript-rebuilt; emitter-appended) ---
"""Pipeline reference for scband-emaquantizer-33389075759593 (READ-ONLY COPY).

The authoritative reference and input builder live on the scoring server;
editing this copy changes nothing except your own understanding.
"""

import jax, jax.numpy as jnp
import numpy as np

CODEBOOK_SIZE = 8192
DIM = 256

def setup_inputs(seed: int = 0) -> dict:
    key = jax.random.key(seed)
    k1, k2 = jax.random.split(key)
    x = jax.random.normal(k1, (16, 1024, 256), dtype=jnp.float32)
    embedding = jax.random.normal(k2, (CODEBOOK_SIZE, DIM), dtype=jnp.float32)
    return {"x": x, "embedding": embedding}

def reference(x, embedding):
    # EMAQuantizer.forward in eval mode (EMA buffer updates are training-only side effects)
    dim = embedding.shape[1]
    flat = x.reshape(-1, dim)
    distances = (jnp.sum(flat * flat, axis=1, keepdims=True)
                 - 2.0 * flat @ embedding.T
                 + jnp.sum(embedding * embedding, axis=1))
    indices = jnp.argmin(distances, axis=1)
    quantized = jnp.take(embedding, indices, axis=0).reshape(x.shape)
    loss = (jnp.mean((jax.lax.stop_gradient(quantized) - x) ** 2)
            + jnp.mean((quantized - jax.lax.stop_gradient(x)) ** 2))
    quantized_st = x + jax.lax.stop_gradient(quantized - x)
    return quantized_st, indices.reshape(x.shape[:-1]), loss

if __name__ == "__main__":
    import jax
    _d = setup_inputs()
    print(jax.jit(kernel)(*tuple(_d.values())))

</pallas_src>

<mosaic_0001>
#map = affine_map<(d0, d1) -> (0, 0)>
#map1 = affine_map<(d0, d1) -> (0)>
module attributes {stable_mosaic.version = 14 : i64} {
  func.func @_sc_gather(%arg0: i32, %arg1: i32, %arg2: memref<8192x256xf32, #tpu.memory_space<hbm>>, %arg3: memref<16384xi32, #tpu.memory_space<hbm>>, %arg4: memref<16384x256xf32, #tpu.memory_space<hbm>>, %arg5: memref<128xi32, #tpu.memory_space<vmem>>, %arg6: memref<128xi32, #tpu.memory_space<vmem>>, %arg7: memref<128x256xf32, #tpu.memory_space<vmem>>, %arg8: memref<128x256xf32, #tpu.memory_space<vmem>>, %arg9: memref<!tpu.dma_semaphore, #tpu.memory_space<semaphore_mem>>, %arg10: memref<!tpu.dma_semaphore, #tpu.memory_space<semaphore_mem>>, %arg11: memref<!tpu.dma_semaphore, #tpu.memory_space<semaphore_mem>>, %arg12: memref<!tpu.dma_semaphore, #tpu.memory_space<semaphore_mem>>) attributes {dimension_semantics = [#tpu.dimension_semantics<core_parallel>, #tpu.dimension_semantics<subcore_parallel>], iteration_bounds = array<i64: 2, 16>, scalar_prefetch = 0 : i64, scratch_operands = 8 : i64, tpu.core_type = #tpu.core_type<sc_vector_subcore>, window_params = [{transform_indices = #map}, {transform_indices = #map1}, {transform_indices = #map}]} {
    %mul3A = arith.constant 2 : i32
    %mul3A_0 = arith.muli %arg1, %mul3A : i32
    %add3A = arith.addi %mul3A_0, %arg0 : i32
    %mul3A_1 = arith.constant 512 : i32
    %mul3A_2 = arith.muli %add3A, %mul3A_1 : i32
    %add3A_3 = arith.constant 128 : i32
    %add3A_4 = arith.addi %mul3A_2, %add3A_3 : i32
    %add3A_5 = arith.constant 256 : i32
    %add3A_6 = arith.addi %mul3A_2, %add3A_5 : i32
    %add3A_7 = arith.constant 384 : i32
    %add3A_8 = arith.addi %mul3A_2, %add3A_7 : i32
    "tpu.region"() ({
      %run_scoped3A = tpu.sem_alloc : memref<!tpu.dma_semaphore, #tpu.memory_space<semaphore_mem>>
      %dma_start3A_63 = tpu.memref_slice %arg3[%mul3A_2] : memref<16384xi32, #tpu.memory_space<hbm>> -> memref<128xi32, #tpu.memory_space<hbm>>
      %dma_start3A_64 = tpu.memref_slice %arg3[%mul3A_2] : memref<16384xi32, #tpu.memory_space<hbm>> -> memref<128xi32, #tpu.memory_space<hbm>>
      tpu.enqueue_dma source(%dma_start3A_64 : memref<128xi32, #tpu.memory_space<hbm>>) target(%arg5 : memref<128xi32, #tpu.memory_space<vmem>>) target_semaphore(%run_scoped3A : memref<!tpu.dma_semaphore, #tpu.memory_space<semaphore_mem>>)
      %dma_wait3A_65 = tpu.memref_slice %arg3[%mul3A_2] : memref<16384xi32, #tpu.memory_space<hbm>> -> memref<128xi32, #tpu.memory_space<hbm>>
      %dma_wait3A_66 = tpu.memref_slice %arg3[%mul3A_2] : memref<16384xi32, #tpu.memory_space<hbm>> -> memref<128xi32, #tpu.memory_space<hbm>>
      tpu.wait_dma2 semaphore(%run_scoped3A : memref<!tpu.dma_semaphore, #tpu.memory_space<semaphore_mem>>) src(%dma_wait3A_66 : memref<128xi32, #tpu.memory_space<hbm>>) dst(%arg5 : memref<128xi32, #tpu.memory_space<vmem>>)
      tpu.yield
    }) : () -> ()
    %dma_start3A = arith.constant 0 : i32
    %dma_start3A_9 = arith.constant 0 : i32
    %dma_start3A_10 = tpu.memref_slice %arg2[%dma_start3A, %dma_start3A_9] : memref<8192x256xf32, #tpu.memory_space<hbm>> -> memref<8192x256xf32, #tpu.memory_space<hbm>>
    tpu.enqueue_indirect_dma source(%dma_start3A_10 : memref<8192x256xf32, #tpu.memory_space<hbm>>) target(%arg7 : memref<128x256xf32, #tpu.memory_space<vmem>>) offsets(%arg5 : memref<128xi32, #tpu.memory_space<vmem>>) semaphore(%arg9 : memref<!tpu.dma_semaphore, #tpu.memory_space<semaphore_mem>>)
    "tpu.region"() ({
      %run_scoped3A = tpu.sem_alloc : memref<!tpu.dma_semaphore, #tpu.memory_space<semaphore_mem>>
      %dma_start3A_63 = tpu.memref_slice %arg3[%add3A_4] : memref<16384xi32, #tpu.memory_space<hbm>> -> memref<128xi32, #tpu.memory_space<hbm>>
      %dma_start3A_64 = tpu.memref_slice %arg3[%add3A_4] : memref<16384xi32, #tpu.memory_space<hbm>> -> memref<128xi32, #tpu.memory_space<hbm>>
      tpu.enqueue_dma source(%dma_start3A_64 : memref<128xi32, #tpu.memory_space<hbm>>) target(%arg6 : memref<128xi32, #tpu.memory_space<vmem>>) target_semaphore(%run_scoped3A : memref<!tpu.dma_semaphore, #tpu.memory_space<semaphore_mem>>)
      %dma_wait3A_65 = tpu.memref_slice %arg3[%add3A_4] : memref<16384xi32, #tpu.memory_space<hbm>> -> memref<128xi32, #tpu.memory_space<hbm>>
      %dma_wait3A_66 = tpu.memref_slice %arg3[%add3A_4] : memref<16384xi32, #tpu.memory_space<hbm>> -> memref<128xi32, #tpu.memory_space<hbm>>
      tpu.wait_dma2 semaphore(%run_scoped3A : memref<!tpu.dma_semaphore, #tpu.memory_space<semaphore_mem>>) src(%dma_wait3A_66 : memref<128xi32, #tpu.memory_space<hbm>>) dst(%arg6 : memref<128xi32, #tpu.memory_space<vmem>>)
      tpu.yield
    }) : () -> ()
    %dma_start3A_11 = arith.constant 0 : i32
    %dma_start3A_12 = arith.constant 0 : i32
    %dma_start3A_13 = tpu.memref_slice %arg2[%dma_start3A_11, %dma_start3A_12] : memref<8192x256xf32, #tpu.memory_space<hbm>> -> memref<8192x256xf32, #tpu.memory_space<hbm>>
    tpu.enqueue_indirect_dma source(%dma_start3A_13 : memref<8192x256xf32, #tpu.memory_space<hbm>>) target(%arg8 : memref<128x256xf32, #tpu.memory_space<vmem>>) offsets(%arg6 : memref<128xi32, #tpu.memory_space<vmem>>) semaphore(%arg10 : memref<!tpu.dma_semaphore, #tpu.memory_space<semaphore_mem>>)
    %dma_wait3A = arith.constant 0 : i32
    %dma_wait3A_14 = arith.constant 0 : i32
    %dma_wait3A_15 = tpu.memref_slice %arg2[%dma_wait3A, %dma_wait3A_14] : memref<8192x256xf32, #tpu.memory_space<hbm>> -> memref<8192x256xf32, #tpu.memory_space<hbm>>
    tpu.wait_indirect_dma semaphore(%arg9 : memref<!tpu.dma_semaphore, #tpu.memory_space<semaphore_mem>>) src(%dma_wait3A_15 : memref<8192x256xf32, #tpu.memory_space<hbm>>) dst(%arg7 : memref<128x256xf32, #tpu.memory_space<vmem>>)
    %dma_start3A_16 = arith.constant 0 : i32
    %dma_start3A_17 = tpu.memref_slice %arg4[%mul3A_2, %dma_start3A_16] : memref<16384x256xf32, #tpu.memory_space<hbm>> -> memref<128x256xf32, #tpu.memory_space<hbm>>
    %dma_start3A_18 = arith.constant 0 : i32
    %dma_start3A_19 = tpu.memref_slice %arg4[%mul3A_2, %dma_start3A_18] : memref<16384x256xf32, #tpu.memory_space<hbm>> -> memref<128x256xf32, #tpu.memory_space<hbm>>
    tpu.enqueue_dma source(%arg7 : memref<128x256xf32, #tpu.memory_space<vmem>>) target(%dma_start3A_19 : memref<128x256xf32, #tpu.memory_space<hbm>>) target_semaphore(%arg11 : memref<!tpu.dma_semaphore, #tpu.memory_space<semaphore_mem>>)
    %dma_wait3A_20 = arith.constant 0 : i32
    %dma_wait3A_21 = arith.constant 0 : i32
    %dma_wait3A_22 = tpu.memref_slice %arg2[%dma_wait3A_20, %dma_wait3A_21] : memref<8192x256xf32, #tpu.memory_space<hbm>> -> memref<8192x256xf32, #tpu.memory_space<hbm>>
    tpu.wait_indirect_dma semaphore(%arg10 : memref<!tpu.dma_semaphore, #tpu.memory_space<semaphore_mem>>) src(%dma_wait3A_22 : memref<8192x256xf32, #tpu.memory_space<hbm>>) dst(%arg8 : memref<128x256xf32, #tpu.memory_space<vmem>>)
    %dma_start3A_23 = arith.constant 0 : i32
    %dma_start3A_24 = tpu.memref_slice %arg4[%add3A_4, %dma_start3A_23] : memref<16384x256xf32, #tpu.memory_space<hbm>> -> memref<128x256xf32, #tpu.memory_space<hbm>>
    %dma_start3A_25 = arith.constant 0 : i32
    %dma_start3A_26 = tpu.memref_slice %arg4[%add3A_4, %dma_start3A_25] : memref<16384x256xf32, #tpu.memory_space<hbm>> -> memref<128x256xf32, #tpu.memory_space<hbm>>
    tpu.enqueue_dma source(%arg8 : memref<128x256xf32, #tpu.memory_space<vmem>>) target(%dma_start3A_26 : memref<128x256xf32, #tpu.memory_space<hbm>>) target_semaphore(%arg12 : memref<!tpu.dma_semaphore, #tpu.memory_space<semaphore_mem>>)
    %dma_wait3A_27 = arith.constant 0 : i32
    %dma_wait3A_28 = tpu.memref_slice %arg4[%mul3A_2, %dma_wait3A_27] : memref<16384x256xf32, #tpu.memory_space<hbm>> -> memref<128x256xf32, #tpu.memory_space<hbm>>
    %dma_wait3A_29 = arith.constant 0 : i32
    %dma_wait3A_30 = tpu.memref_slice %arg4[%mul3A_2, %dma_wait3A_29] : memref<16384x256xf32, #tpu.memory_space<hbm>> -> memref<128x256xf32, #tpu.memory_space<hbm>>
    tpu.wait_dma2 semaphore(%arg11 : memref<!tpu.dma_semaphore, #tpu.memory_space<semaphore_mem>>) src(%arg7 : memref<128x256xf32, #tpu.memory_space<vmem>>) dst(%dma_wait3A_30 : memref<128x256xf32, #tpu.memory_space<hbm>>)
    "tpu.region"() ({
      %run_scoped3A = tpu.sem_alloc : memref<!tpu.dma_semaphore, #tpu.memory_space<semaphore_mem>>
      %dma_start3A_63 = tpu.memref_slice %arg3[%add3A_6] : memref<16384xi32, #tpu.memory_space<hbm>> -> memref<128xi32, #tpu.memory_space<hbm>>
      %dma_start3A_64 = tpu.memref_slice %arg3[%add3A_6] : memref<16384xi32, #tpu.memory_space<hbm>> -> memref<128xi32, #tpu.memory_space<hbm>>
      tpu.enqueue_dma source(%dma_start3A_64 : memref<128xi32, #tpu.memory_space<hbm>>) target(%arg5 : memref<128xi32, #tpu.memory_space<vmem>>) target_semaphore(%run_scoped3A : memref<!tpu.dma_semaphore, #tpu.memory_space<semaphore_mem>>)
      %dma_wait3A_65 = tpu.memref_slice %arg3[%add3A_6] : memref<16384xi32, #tpu.memory_space<hbm>> -> memref<128xi32, #tpu.memory_space<hbm>>
      %dma_wait3A_66 = tpu.memref_slice %arg3[%add3A_6] : memref<16384xi32, #tpu.memory_space<hbm>> -> memref<128xi32, #tpu.memory_space<hbm>>
      tpu.wait_dma2 semaphore(%run_scoped3A : memref<!tpu.dma_semaphore, #tpu.memory_space<semaphore_mem>>) src(%dma_wait3A_66 : memref<128xi32, #tpu.memory_space<hbm>>) dst(%arg5 : memref<128xi32, #tpu.memory_space<vmem>>)
      tpu.yield
    }) : () -> ()
    %dma_start3A_31 = arith.constant 0 : i32
    %dma_start3A_32 = arith.constant 0 : i32
    %dma_start3A_33 = tpu.memref_slice %arg2[%dma_start3A_31, %dma_start3A_32] : memref<8192x256xf32, #tpu.memory_space<hbm>> -> memref<8192x256xf32, #tpu.memory_space<hbm>>
    tpu.enqueue_indirect_dma source(%dma_start3A_33 : memref<8192x256xf32, #tpu.memory_space<hbm>>) target(%arg7 : memref<128x256xf32, #tpu.memory_space<vmem>>) offsets(%arg5 : memref<128xi32, #tpu.memory_space<vmem>>) semaphore(%arg9 : memref<!tpu.dma_semaphore, #tpu.memory_space<semaphore_mem>>)
    %dma_wait3A_34 = arith.constant 0 : i32
    %dma_wait3A_35 = tpu.memref_slice %arg4[%add3A_4, %dma_wait3A_34] : memref<16384x256xf32, #tpu.memory_space<hbm>> -> memref<128x256xf32, #tpu.memory_space<hbm>>
    %dma_wait3A_36 = arith.constant 0 : i32
    %dma_wait3A_37 = tpu.memref_slice %arg4[%add3A_4, %dma_wait3A_36] : memref<16384x256xf32, #tpu.memory_space<hbm>> -> memref<128x256xf32, #tpu.memory_space<hbm>>
    tpu.wait_dma2 semaphore(%arg12 : memref<!tpu.dma_semaphore, #tpu.memory_space<semaphore_mem>>) src(%arg8 : memref<128x256xf32, #tpu.memory_space<vmem>>) dst(%dma_wait3A_37 : memref<128x256xf32, #tpu.memory_space<hbm>>)
    "tpu.region"() ({
      %run_scoped3A = tpu.sem_alloc : memref<!tpu.dma_semaphore, #tpu.memory_space<semaphore_mem>>
      %dma_start3A_63 = tpu.memref_slice %arg3[%add3A_8] : memref<16384xi32, #tpu.memory_space<hbm>> -> memref<128xi32, #tpu.memory_space<hbm>>
      %dma_start3A_64 = tpu.memref_slice %arg3[%add3A_8] : memref<16384xi32, #tpu.memory_space<hbm>> -> memref<128xi32, #tpu.memory_space<hbm>>
      tpu.enqueue_dma source(%dma_start3A_64 : memref<128xi32, #tpu.memory_space<hbm>>) target(%arg6 : memref<128xi32, #tpu.memory_space<vmem>>) target_semaphore(%run_scoped3A : memref<!tpu.dma_semaphore, #tpu.memory_space<semaphore_mem>>)
      %dma_wait3A_65 = tpu.memref_slice %arg3[%add3A_8] : memref<16384xi32, #tpu.memory_space<hbm>> -> memref<128xi32, #tpu.memory_space<hbm>>
      %dma_wait3A_66 = tpu.memref_slice %arg3[%add3A_8] : memref<16384xi32, #tpu.memory_space<hbm>> -> memref<128xi32, #tpu.memory_space<hbm>>
      tpu.wait_dma2 semaphore(%run_scoped3A : memref<!tpu.dma_semaphore, #tpu.memory_space<semaphore_mem>>) src(%dma_wait3A_66 : memref<128xi32, #tpu.memory_space<hbm>>) dst(%arg6 : memref<128xi32, #tpu.memory_space<vmem>>)
      tpu.yield
    }) : () -> ()
    %dma_start3A_38 = arith.constant 0 : i32
    %dma_start3A_39 = arith.constant 0 : i32
    %dma_start3A_40 = tpu.memref_slice %arg2[%dma_start3A_38, %dma_start3A_39] : memref<8192x256xf32, #tpu.memory_space<hbm>> -> memref<8192x256xf32, #tpu.memory_space<hbm>>
    tpu.enqueue_indirect_dma source(%dma_start3A_40 : memref<8192x256xf32, #tpu.memory_space<hbm>>) target(%arg8 : memref<128x256xf32, #tpu.memory_space<vmem>>) offsets(%arg6 : memref<128xi32, #tpu.memory_space<vmem>>) semaphore(%arg10 : memref<!tpu.dma_semaphore, #tpu.memory_space<semaphore_mem>>)
    %dma_wait3A_41 = arith.constant 0 : i32
    %dma_wait3A_42 = arith.constant 0 : i32
    %dma_wait3A_43 = tpu.memref_slice %arg2[%dma_wait3A_41, %dma_wait3A_42] : memref<8192x256xf32, #tpu.memory_space<hbm>> -> memref<8192x256xf32, #tpu.memory_space<hbm>>
    tpu.wait_indirect_dma semaphore(%arg9 : memref<!tpu.dma_semaphore, #tpu.memory_space<semaphore_mem>>) src(%dma_wait3A_43 : memref<8192x256xf32, #tpu.memory_space<hbm>>) dst(%arg7 : memref<128x256xf32, #tpu.memory_space<vmem>>)
    %dma_start3A_44 = arith.constant 0 : i32
    %dma_start3A_45 = tpu.memref_slice %arg4[%add3A_6, %dma_start3A_44] : memref<16384x256xf32, #tpu.memory_space<hbm>> -> memref<128x256xf32, #tpu.memory_space<hbm>>
    %dma_start3A_46 = arith.constant 0 : i32
    %dma_start3A_47 = tpu.memref_slice %arg4[%add3A_6, %dma_start3A_46] : memref<16384x256xf32, #tpu.memory_space<hbm>> -> memref<128x256xf32, #tpu.memory_space<hbm>>
    tpu.enqueue_dma source(%arg7 : memref<128x256xf32, #tpu.memory_space<vmem>>) target(%dma_start3A_47 : memref<128x256xf32, #tpu.memory_space<hbm>>) target_semaphore(%arg11 : memref<!tpu.dma_semaphore, #tpu.memory_space<semaphore_mem>>)
    %dma_wait3A_48 = arith.constant 0 : i32
    %dma_wait3A_49 = arith.constant 0 : i32
    %dma_wait3A_50 = tpu.memref_slice %arg2[%dma_wait3A_48, %dma_wait3A_49] : memref<8192x256xf32, #tpu.memory_space<hbm>> -> memref<8192x256xf32, #tpu.memory_space<hbm>>
    tpu.wait_indirect_dma semaphore(%arg10 : memref<!tpu.dma_semaphore, #tpu.memory_space<semaphore_mem>>) src(%dma_wait3A_50 : memref<8192x256xf32, #tpu.memory_space<hbm>>) dst(%arg8 : memref<128x256xf32, #tpu.memory_space<vmem>>)
    %dma_start3A_51 = arith.constant 0 : i32
    %dma_start3A_52 = tpu.memref_slice %arg4[%add3A_8, %dma_start3A_51] : memref<16384x256xf32, #tpu.memory_space<hbm>> -> memref<128x256xf32, #tpu.memory_space<hbm>>
    %dma_start3A_53 = arith.constant 0 : i32
    %dma_start3A_54 = tpu.memref_slice %arg4[%add3A_8, %dma_start3A_53] : memref<16384x256xf32, #tpu.memory_space<hbm>> -> memref<128x256xf32, #tpu.memory_space<hbm>>
    tpu.enqueue_dma source(%arg8 : memref<128x256xf32, #tpu.memory_space<vmem>>) target(%dma_start3A_54 : memref<128x256xf32, #tpu.memory_space<hbm>>) target_semaphore(%arg12 : memref<!tpu.dma_semaphore, #tpu.memory_space<semaphore_mem>>)
    %dma_wait3A_55 = arith.constant 0 : i32
    %dma_wait3A_56 = tpu.memref_slice %arg4[%add3A_6, %dma_wait3A_55] : memref<16384x256xf32, #tpu.memory_space<hbm>> -> memref<128x256xf32, #tpu.memory_space<hbm>>
    %dma_wait3A_57 = arith.constant 0 : i32
    %dma_wait3A_58 = tpu.memref_slice %arg4[%add3A_6, %dma_wait3A_57] : memref<16384x256xf32, #tpu.memory_space<hbm>> -> memref<128x256xf32, #tpu.memory_space<hbm>>
    tpu.wait_dma2 semaphore(%arg11 : memref<!tpu.dma_semaphore, #tpu.memory_space<semaphore_mem>>) src(%arg7 : memref<128x256xf32, #tpu.memory_space<vmem>>) dst(%dma_wait3A_58 : memref<128x256xf32, #tpu.memory_space<hbm>>)
    %dma_wait3A_59 = arith.constant 0 : i32
    %dma_wait3A_60 = tpu.memref_slice %arg4[%add3A_8, %dma_wait3A_59] : memref<16384x256xf32, #tpu.memory_space<hbm>> -> memref<128x256xf32, #tpu.memory_space<hbm>>
    %dma_wait3A_61 = arith.constant 0 : i32
    %dma_wait3A_62 = tpu.memref_slice %arg4[%add3A_8, %dma_wait3A_61] : memref<16384x256xf32, #tpu.memory_space<hbm>> -> memref<128x256xf32, #tpu.memory_space<hbm>>
    tpu.wait_dma2 semaphore(%arg12 : memref<!tpu.dma_semaphore, #tpu.memory_space<semaphore_mem>>) src(%arg8 : memref<128x256xf32, #tpu.memory_space<vmem>>) dst(%dma_wait3A_62 : memref<128x256xf32, #tpu.memory_space<hbm>>)
    return
  }
}

module attributes {stable_mosaic.version = 14 : i64} {
  func.func @_dist_argmin_body(%arg0: i32, %arg1: memref<1024x256xf32, #tpu.memory_space<vmem>>, %arg2: memref<8192x256xf32, #tpu.memory_space<vmem>>, %arg3: memref<1024x1xf32, #tpu.memory_space<vmem>>, %arg4: memref<1x8192xf32, #tpu.memory_space<vmem>>, %arg5: memref<1x8192xf32, #tpu.memory_space<vmem>>, %arg6: memref<1024x1xi32, #tpu.memory_space<vmem>>, %arg7: memref<1x1xf32, #tpu.memory_space<vmem>>) attributes {dimension_semantics = [#tpu.dimension_semantics<arbitrary>], iteration_bounds = array<i64: 16>, scalar_prefetch = 0 : i64, scratch_operands = 0 : i64, tpu.core_type = #tpu.core_type<tc>, window_params = [{transform_indices = @transform_0, window_bounds = array<i64: 1024, 256>}, {pipeline_mode = #tpu.pipeline_mode<synchronous>, transform_indices = @transform_1, window_bounds = array<i64: 8192, 256>}, {transform_indices = @transform_2, window_bounds = array<i64: 1024, 1>}, {pipeline_mode = #tpu.pipeline_mode<synchronous>, transform_indices = @transform_3, window_bounds = array<i64: 1, 8192>}, {pipeline_mode = #tpu.pipeline_mode<synchronous>, transform_indices = @transform_4, window_bounds = array<i64: 1, 8192>}, {transform_indices = @transform_5, window_bounds = array<i64: 1024, 1>}, {pipeline_mode = #tpu.pipeline_mode<synchronous>, transform_indices = @transform_6, window_bounds = array<i64: 1, 1>}]} {
    %eq3A = arith.constant 0 : i32
    %eq3A_0 = arith.cmpi eq, %arg0, %eq3A : i32
    %convert_element_type3A = arith.extui %eq3A_0 : i1 to i32
    %cond3A = arith.constant 0 : i32
    %cond3A_1 = arith.cmpi ne, %convert_element_type3A, %cond3A : i32
    scf.if %cond3A_1 {
      %broadcast_in_dim3A_276 = arith.constant 0.000000e+00 : f32
      %broadcast_in_dim3A_277 = vector.broadcast %broadcast_in_dim3A_276 : f32 to vector<1x1xf32>
      %swap3A_278 = arith.constant 0 : index
      %swap3A_279 = arith.constant 0 : index
      %swap3A_280 = vector.load %arg7[%swap3A_278, %swap3A_279] : memref<1x1xf32, #tpu.memory_space<vmem>>, vector<1x1xf32>
      tpu.vector_store %arg7[%swap3A_278, %swap3A_279], %broadcast_in_dim3A_277 {strides = array<i32>} : memref<1x1xf32, #tpu.memory_space<vmem>>, vector<1x1xf32>,
    } else {
    }
    %get3A = arith.constant 0 : index
    %get3A_2 = arith.constant 0 : index
    %get3A_3 = vector.load %arg1[%get3A, %get3A_2] : memref<1024x256xf32, #tpu.memory_space<vmem>>, vector<1024x256xf32>
    %add3A = arith.addf %get3A_3, %get3A_3 : vector<1024x256xf32>
    %get3A_4 = arith.constant 0 : index
    %get3A_5 = arith.constant 0 : index
    %get3A_6 = vector.load %arg3[%get3A_4, %get3A_5] : memref<1024x1xf32, #tpu.memory_space<vmem>>, vector<1024x1xf32>
    %broadcast_in_dim3A = arith.constant 0x7F800000 : f32
    %broadcast_in_dim3A_7 = vector.broadcast %broadcast_in_dim3A : f32 to vector<1024x1xf32>
    %broadcast_in_dim3A_8 = arith.constant 0 : i32
    %broadcast_in_dim3A_9 = vector.broadcast %broadcast_in_dim3A_8 : i32 to vector<1024x1xi32>
    %get3A_10 = arith.constant 0 : index
    %get3A_11 = arith.constant 0 : index
    %get3A_12 = vector.load %arg2[%get3A_10, %get3A_11] : memref<8192x256xf32, #tpu.memory_space<vmem>>, vector<1024x256xf32>
    %dot_general3A = arith.constant dense<0.000000e+00> : vector<1024x1024xf32>
    %dot_general3A_13 = tpu.matmul %add3A, %get3A_12, %dot_general3A {dimension_numbers = #tpu.dot_dimension_numbers<[1], [1], [0], [0], [0, 0, 1, 0], [], []>, transpose_lhs_hint = false} : vector<1024x256xf32>, vector<1024x256xf32>, vector<1024x1024xf32> -> vector<1024x1024xf32>
    %sub3A = vector.broadcast %get3A_6 : vector<1024x1xf32> to vector<1024x1024xf32>
    %sub3A_14 = arith.subf %sub3A, %dot_general3A_13 : vector<1024x1024xf32>
    %get3A_15 = arith.constant 0 : index
    %get3A_16 = arith.constant 0 : index
    %get3A_17 = vector.load %arg4[%get3A_15, %get3A_16] : memref<1x8192xf32, #tpu.memory_space<vmem>>, vector<1x1024xf32>
    %add3A_18 = vector.broadcast %get3A_17 : vector<1x1024xf32> to vector<1024x1024xf32>
    %add3A_19 = arith.addf %sub3A_14, %add3A_18 : vector<1024x1024xf32>
    %reduce_min3A = arith.constant dense<0x7F800000> : vector<1024xf32>
    %reduce_min3A_20 = vector.multi_reduction <minimumf>, %add3A_19, %reduce_min3A [1] : vector<1024x1024xf32> to vector<1024xf32>
    %broadcast_in_dim3A_21 = vector.shape_cast %reduce_min3A_20 : vector<1024xf32> to vector<1024x1xf32>
    %eq3A_22 = vector.broadcast %broadcast_in_dim3A_21 : vector<1024x1xf32> to vector<1024x1024xf32>
    %eq3A_23 = arith.cmpf oeq, %add3A_19, %eq3A_22 : vector<1024x1024xf32>
    %get3A_24 = arith.constant 0 : index
    %get3A_25 = arith.constant 0 : index
    %get3A_26 = vector.load %arg5[%get3A_24, %get3A_25] : memref<1x8192xf32, #tpu.memory_space<vmem>>, vector<1x1024xf32>
    %jit3A = arith.constant 0x7F800000 : f32
    %broadcast_in_dim3A_27 = vector.shape_cast %get3A_26 : vector<1x1024xf32> to vector<1x1024xf32>
    %broadcast_in_dim3A_28 = vector.broadcast %broadcast_in_dim3A_27 : vector<1x1024xf32> to vector<1024x1024xf32>
    %broadcast_in_dim3A_29 = vector.broadcast %jit3A : f32 to vector<1024x1024xf32>
    %select_n3A = arith.select %eq3A_23, %broadcast_in_dim3A_28, %broadcast_in_dim3A_29 : vector<1024x1024xi1>, vector<1024x1024xf32>
    %reduce_min3A_30 = arith.constant dense<0x7F800000> : vector<1024xf32>
    %reduce_min3A_31 = vector.multi_reduction <minimumf>, %select_n3A, %reduce_min3A_30 [1] : vector<1024x1024xf32> to vector<1024xf32>
    %broadcast_in_dim3A_32 = vector.shape_cast %reduce_min3A_31 : vector<1024xf32> to vector<1024x1xf32>
    %convert_element_type3A_33 = arith.fptosi %broadcast_in_dim3A_32 : vector<1024x1xf32> to vector<1024x1xi32>
    %lt3A = arith.cmpf olt, %broadcast_in_dim3A_21, %broadcast_in_dim3A_7 : vector<1024x1xf32>
    %select_n3A_34 = arith.select %lt3A, %convert_element_type3A_33, %broadcast_in_dim3A_9 : vector<1024x1xi1>, vector<1024x1xi32>
    %select_n3A_35 = arith.select %lt3A, %broadcast_in_dim3A_21, %broadcast_in_dim3A_7 : vector<1024x1xi1>, vector<1024x1xf32>
    %get3A_36 = arith.constant 1024 : index
    %get3A_37 = arith.constant 0 : index
    %get3A_38 = vector.load %arg2[%get3A_36, %get3A_37] : memref<8192x256xf32, #tpu.memory_space<vmem>>, vector<1024x256xf32>
    %dot_general3A_39 = arith.constant dense<0.000000e+00> : vector<1024x1024xf32>
    %dot_general3A_40 = tpu.matmul %add3A, %get3A_38, %dot_general3A_39 {dimension_numbers = #tpu.dot_dimension_numbers<[1], [1], [0], [0], [0, 0, 1, 0], [], []>, transpose_lhs_hint = false} : vector<1024x256xf32>, vector<1024x256xf32>, vector<1024x1024xf32> -> vector<1024x1024xf32>
    %sub3A_41 = vector.broadcast %get3A_6 : vector<1024x1xf32> to vector<1024x1024xf32>
    %sub3A_42 = arith.subf %sub3A_41, %dot_general3A_40 : vector<1024x1024xf32>
    %get3A_43 = arith.constant 0 : index
    %get3A_44 = arith.constant 1024 : index
    %get3A_45 = vector.load %arg4[%get3A_43, %get3A_44] : memref<1x8192xf32, #tpu.memory_space<vmem>>, vector<1x1024xf32>
    %add3A_46 = vector.broadcast %get3A_45 : vector<1x1024xf32> to vector<1024x1024xf32>
    %add3A_47 = arith.addf %sub3A_42, %add3A_46 : vector<1024x1024xf32>
    %reduce_min3A_48 = arith.constant dense<0x7F800000> : vector<1024xf32>
    %reduce_min3A_49 = vector.multi_reduction <minimumf>, %add3A_47, %reduce_min3A_48 [1] : vector<1024x1024xf32> to vector<1024xf32>
    %broadcast_in_dim3A_50 = vector.shape_cast %reduce_min3A_49 : vector<1024xf32> to vector<1024x1xf32>
    %eq3A_51 = vector.broadcast %broadcast_in_dim3A_50 : vector<1024x1xf32> to vector<1024x1024xf32>
    %eq3A_52 = arith.cmpf oeq, %add3A_47, %eq3A_51 : vector<1024x1024xf32>
    %get3A_53 = arith.constant 0 : index
    %get3A_54 = arith.constant 1024 : index
    %get3A_55 = vector.load %arg5[%get3A_53, %get3A_54] : memref<1x8192xf32, #tpu.memory_space<vmem>>, vector<1x1024xf32>
    %jit3A_56 = arith.constant 0x7F800000 : f32
    %broadcast_in_dim3A_57 = vector.shape_cast %get3A_55 : vector<1x1024xf32> to vector<1x1024xf32>
    %broadcast_in_dim3A_58 = vector.broadcast %broadcast_in_dim3A_57 : vector<1x1024xf32> to vector<1024x1024xf32>
    %broadcast_in_dim3A_59 = vector.broadcast %jit3A_56 : f32 to vector<1024x1024xf32>
    %select_n3A_60 = arith.select %eq3A_52, %broadcast_in_dim3A_58, %broadcast_in_dim3A_59 : vector<1024x1024xi1>, vector<1024x1024xf32>
    %reduce_min3A_61 = arith.constant dense<0x7F800000> : vector<1024xf32>
    %reduce_min3A_62 = vector.multi_reduction <minimumf>, %select_n3A_60, %reduce_min3A_61 [1] : vector<1024x1024xf32> to vector<1024xf32>
    %broadcast_in_dim3A_63 = vector.shape_cast %reduce_min3A_62 : vector<1024xf32> to vector<1024x1xf32>
    %convert_element_type3A_64 = arith.fptosi %broadcast_in_dim3A_63 : vector<1024x1xf32> to vector<1024x1xi32>
    %lt3A_65 = arith.cmpf olt, %broadcast_in_dim3A_50, %select_n3A_35 : vector<1024x1xf32>
    %select_n3A_66 = arith.select %lt3A_65, %convert_element_type3A_64, %select_n3A_34 : vector<1024x1xi1>, vector<1024x1xi32>
    %select_n3A_67 = arith.select %lt3A_65, %broadcast_in_dim3A_50, %select_n3A_35 : vector<1024x1xi1>, vector<1024x1xf32>
    %get3A_68 = arith.constant 2048 : index
    %get3A_69 = arith.constant 0 : index
    %get3A_70 = vector.load %arg2[%get3A_68, %get3A_69] : memref<8192x256xf32, #tpu.memory_space<vmem>>, vector<1024x256xf32>
    %dot_general3A_71 = arith.constant dense<0.000000e+00> : vector<1024x1024xf32>
    %dot_general3A_72 = tpu.matmul %add3A, %get3A_70, %dot_general3A_71 {dimension_numbers = #tpu.dot_dimension_numbers<[1], [1], [0], [0], [0, 0, 1, 0], [], []>, transpose_lhs_hint = false} : vector<1024x256xf32>, vector<1024x256xf32>, vector<1024x1024xf32> -> vector<1024x1024xf32>
    %sub3A_73 = vector.broadcast %get3A_6 : vector<1024x1xf32> to vector<1024x1024xf32>
    %sub3A_74 = arith.subf %sub3A_73, %dot_general3A_72 : vector<1024x1024xf32>
    %get3A_75 = arith.constant 0 : index
    %get3A_76 = arith.constant 2048 : index
    %get3A_77 = vector.load %arg4[%get3A_75, %get3A_76] : memref<1x8192xf32, #tpu.memory_space<vmem>>, vector<1x1024xf32>
    %add3A_78 = vector.broadcast %get3A_77 : vector<1x1024xf32> to vector<1024x1024xf32>
    %add3A_79 = arith.addf %sub3A_74, %add3A_78 : vector<1024x1024xf32>
    %reduce_min3A_80 = arith.constant dense<0x7F800000> : vector<1024xf32>
    %reduce_min3A_81 = vector.multi_reduction <minimumf>, %add3A_79, %reduce_min3A_80 [1] : vector<1024x1024xf32> to vector<1024xf32>
    %broadcast_in_dim3A_82 = vector.shape_cast %reduce_min3A_81 : vector<1024xf32> to vector<1024x1xf32>
    %eq3A_83 = vector.broadcast %broadcast_in_dim3A_82 : vector<1024x1xf32> to vector<1024x1024xf32>
    %eq3A_84 = arith.cmpf oeq, %add3A_79, %eq3A_83 : vector<1024x1024xf32>
    %get3A_85 = arith.constant 0 : index
    %get3A_86 = arith.constant 2048 : index
    %get3A_87 = vector.load %arg5[%get3A_85, %get3A_86] : memref<1x8192xf32, #tpu.memory_space<vmem>>, vector<1x1024xf32>
    %jit3A_88 = arith.constant 0x7F800000 : f32
    %broadcast_in_dim3A_89 = vector.shape_cast %get3A_87 : vector<1x1024xf32> to vector<1x1024xf32>
    %broadcast_in_dim3A_90 = vector.broadcast %broadcast_in_dim3A_89 : vector<1x1024xf32> to vector<1024x1024xf32>
    %broadcast_in_dim3A_91 = vector.broadcast %jit3A_88 : f32 to vector<1024x1024xf32>
    %select_n3A_92 = arith.select %eq3A_84, %broadcast_in_dim3A_90, %broadcast_in_dim3A_91 : vector<1024x1024xi1>, vector<1024x1024xf32>
    %reduce_min3A_93 = arith.constant dense<0x7F800000> : vector<1024xf32>
    %reduce_min3A_94 = vector.multi_reduction <minimumf>, %select_n3A_92, %reduce_min3A_93 [1] : vector<1024x1024xf32> to vector<1024xf32>
    %broadcast_in_dim3A_95 = vector.shape_cast %reduce_min3A_94 : vector<1024xf32> to vector<1024x1xf32>
    %convert_element_type3A_96 = arith.fptosi %broadcast_in_dim3A_95 : vector<1024x1xf32> to vector<1024x1xi32>
    %lt3A_97 = arith.cmpf olt, %broadcast_in_dim3A_82, %select_n3A_67 : vector<1024x1xf32>
    %select_n3A_98 = arith.select %lt3A_97, %convert_element_type3A_96, %select_n3A_66 : vector<1024x1xi1>, vector<1024x1xi32>
    %select_n3A_99 = arith.select %lt3A_97, %broadcast_in_dim3A_82, %select_n3A_67 : vector<1024x1xi1>, vector<1024x1xf32>
    %get3A_100 = arith.constant 3072 : index
    %get3A_101 = arith.constant 0 : index
    %get3A_102 = vector.load %arg2[%get3A_100, %get3A_101] : memref<8192x256xf32, #tpu.memory_space<vmem>>, vector<1024x256xf32>
    %dot_general3A_103 = arith.constant dense<0.000000e+00> : vector<1024x1024xf32>
    %dot_general3A_104 = tpu.matmul %add3A, %get3A_102, %dot_general3A_103 {dimension_numbers = #tpu.dot_dimension_numbers<[1], [1], [0], [0], [0, 0, 1, 0], [], []>, transpose_lhs_hint = false} : vector<1024x256xf32>, vector<1024x256xf32>, vector<1024x1024xf32> -> vector<1024x1024xf32>
    %sub3A_105 = vector.broadcast %get3A_6 : vector<1024x1xf32> to vector<1024x1024xf32>
    %sub3A_106 = arith.subf %sub3A_105, %dot_general3A_104 : vector<1024x1024xf32>
    %get3A_107 = arith.constant 0 : index
    %get3A_108 = arith.constant 3072 : index
    %get3A_109 = vector.load %arg4[%get3A_107, %get3A_108] : memref<1x8192xf32, #tpu.memory_space<vmem>>, vector<1x1024xf32>
    %add3A_110 = vector.broadcast %get3A_109 : vector<1x1024xf32> to vector<1024x1024xf32>
    %add3A_111 = arith.addf %sub3A_106, %add3A_110 : vector<1024x1024xf32>
    %reduce_min3A_112 = arith.constant dense<0x7F800000> : vector<1024xf32>
    %reduce_min3A_113 = vector.multi_reduction <minimumf>, %add3A_111, %reduce_min3A_112 [1] : vector<1024x1024xf32> to vector<1024xf32>
    %broadcast_in_dim3A_114 = vector.shape_cast %reduce_min3A_113 : vector<1024xf32> to vector<1024x1xf32>
    %eq3A_115 = vector.broadcast %broadcast_in_dim3A_114 : vector<1024x1xf32> to vector<1024x1024xf32>
    %eq3A_116 = arith.cmpf oeq, %add3A_111, %eq3A_115 : vector<1024x1024xf32>
    %get3A_117 = arith.constant 0 : index
    %get3A_118 = arith.constant 3072 : index
    %get3A_119 = vector.load %arg5[%get3A_117, %get3A_118] : memref<1x8192xf32, #tpu.memory_space<vmem>>, vector<1x1024xf32>
    %jit3A_120 = arith.constant 0x7F800000 : f32
    %broadcast_in_dim3A_121 = vector.shape_cast %get3A_119 : vector<1x1024xf32> to vector<1x1024xf32>
    %broadcast_in_dim3A_122 = vector.broadcast %broadcast_in_dim3A_121 : vector<1x1024xf32> to vector<1024x1024xf32>
    %broadcast_in_dim3A_123 = vector.broadcast %jit3A_120 : f32 to vector<1024x1024xf32>
    %select_n3A_124 = arith.select %eq3A_116, %broadcast_in_dim3A_122, %broadcast_in_dim3A_123 : vector<1024x1024xi1>, vector<1024x1024xf32>
    %reduce_min3A_125 = arith.constant dense<0x7F800000> : vector<1024xf32>
    %reduce_min3A_126 = vector.multi_reduction <minimumf>, %select_n3A_124, %reduce_min3A_125 [1] : vector<1024x1024xf32> to vector<1024xf32>
    %broadcast_in_dim3A_127 = vector.shape_cast %reduce_min3A_126 : vector<1024xf32> to vector<1024x1xf32>
    %convert_element_type3A_128 = arith.fptosi %broadcast_in_dim3A_127 : vector<1024x1xf32> to vector<1024x1xi32>
    %lt3A_129 = arith.cmpf olt, %broadcast_in_dim3A_114, %select_n3A_99 : vector<1024x1xf32>
    %select_n3A_130 = arith.select %lt3A_129, %convert_element_type3A_128, %select_n3A_98 : vector<1024x1xi1>, vector<1024x1xi32>
    %select_n3A_131 = arith.select %lt3A_129, %broadcast_in_dim3A_114, %select_n3A_99 : vector<1024x1xi1>, vector<1024x1xf32>
    %get3A_132 = arith.constant 4096 : index
    %get3A_133 = arith.constant 0 : index
    %get3A_134 = vector.load %arg2[%get3A_132, %get3A_133] : memref<8192x256xf32, #tpu.memory_space<vmem>>, vector<1024x256xf32>
    %dot_general3A_135 = arith.constant dense<0.000000e+00> : vector<1024x1024xf32>
    %dot_general3A_136 = tpu.matmul %add3A, %get3A_134, %dot_general3A_135 {dimension_numbers = #tpu.dot_dimension_numbers<[1], [1], [0], [0], [0, 0, 1, 0], [], []>, transpose_lhs_hint = false} : vector<1024x256xf32>, vector<1024x256xf32>, vector<1024x1024xf32> -> vector<1024x1024xf32>
    %sub3A_137 = vector.broadcast %get3A_6 : vector<1024x1xf32> to vector<1024x1024xf32>
    %sub3A_138 = arith.subf %sub3A_137, %dot_general3A_136 : vector<1024x1024xf32>
    %get3A_139 = arith.constant 0 : index
    %get3A_140 = arith.constant 4096 : index
    %get3A_141 = vector.load %arg4[%get3A_139, %get3A_140] : memref<1x8192xf32, #tpu.memory_space<vmem>>, vector<1x1024xf32>
    %add3A_142 = vector.broadcast %get3A_141 : vector<1x1024xf32> to vector<1024x1024xf32>
    %add3A_143 = arith.addf %sub3A_138, %add3A_142 : vector<1024x1024xf32>
    %reduce_min3A_144 = arith.constant dense<0x7F800000> : vector<1024xf32>
    %reduce_min3A_145 = vector.multi_reduction <minimumf>, %add3A_143, %reduce_min3A_144 [1] : vector<1024x1024xf32> to vector<1024xf32>
    %broadcast_in_dim3A_146 = vector.shape_cast %reduce_min3A_145 : vector<1024xf32> to vector<1024x1xf32>
    %eq3A_147 = vector.broadcast %broadcast_in_dim3A_146 : vector<1024x1xf32> to vector<1024x1024xf32>
    %eq3A_148 = arith.cmpf oeq, %add3A_143, %eq3A_147 : vector<1024x1024xf32>
    %get3A_149 = arith.constant 0 : index
    %get3A_150 = arith.constant 4096 : index
    %get3A_151 = vector.load %arg5[%get3A_149, %get3A_150] : memref<1x8192xf32, #tpu.memory_space<vmem>>, vector<1x1024xf32>
    %jit3A_152 = arith.constant 0x7F800000 : f32
    %broadcast_in_dim3A_153 = vector.shape_cast %get3A_151 : vector<1x1024xf32> to vector<1x1024xf32>
    %broadcast_in_dim3A_154 = vector.broadcast %broadcast_in_dim3A_153 : vector<1x1024xf32> to vector<1024x1024xf32>
    %broadcast_in_dim3A_155 = vector.broadcast %jit3A_152 : f32 to vector<1024x1024xf32>
    %select_n3A_156 = arith.select %eq3A_148, %broadcast_in_dim3A_154, %broadcast_in_dim3A_155 : vector<1024x1024xi1>, vector<1024x1024xf32>
    %reduce_min3A_157 = arith.constant dense<0x7F800000> : vector<1024xf32>
    %reduce_min3A_158 = vector.multi_reduction <minimumf>, %select_n3A_156, %reduce_min3A_157 [1] : vector<1024x1024xf32> to vector<1024xf32>
    %broadcast_in_dim3A_159 = vector.shape_cast %reduce_min3A_158 : vector<1024xf32> to vector<1024x1xf32>
    %convert_element_type3A_160 = arith.fptosi %broadcast_in_dim3A_159 : vector<1024x1xf32> to vector<1024x1xi32>
    %lt3A_161 = arith.cmpf olt, %broadcast_in_dim3A_146, %select_n3A_131 : vector<1024x1xf32>
    %select_n3A_162 = arith.select %lt3A_161, %convert_element_type3A_160, %select_n3A_130 : vector<1024x1xi1>, vector<1024x1xi32>
    %select_n3A_163 = arith.select %lt3A_161, %broadcast_in_dim3A_146, %select_n3A_131 : vector<1024x1xi1>, vector<1024x1xf32>
    %get3A_164 = arith.constant 5120 : index
    %get3A_165 = arith.constant 0 : index
    %get3A_166 = vector.load %arg2[%get3A_164, %get3A_165] : memref<8192x256xf32, #tpu.memory_space<vmem>>, vector<1024x256xf32>
    %dot_general3A_167 = arith.constant dense<0.000000e+00> : vector<1024x1024xf32>
    %dot_general3A_168 = tpu.matmul %add3A, %get3A_166, %dot_general3A_167 {dimension_numbers = #tpu.dot_dimension_numbers<[1], [1], [0], [0], [0, 0, 1, 0], [], []>, transpose_lhs_hint = false} : vector<1024x256xf32>, vector<1024x256xf32>, vector<1024x1024xf32> -> vector<1024x1024xf32>
    %sub3A_169 = vector.broadcast %get3A_6 : vector<1024x1xf32> to vector<1024x1024xf32>
    %sub3A_170 = arith.subf %sub3A_169, %dot_general3A_168 : vector<1024x1024xf32>
    %get3A_171 = arith.constant 0 : index
    %get3A_172 = arith.constant 5120 : index
    %get3A_173 = vector.load %arg4[%get3A_171, %get3A_172] : memref<1x8192xf32, #tpu.memory_space<vmem>>, vector<1x1024xf32>
    %add3A_174 = vector.broadcast %get3A_173 : vector<1x1024xf32> to vector<1024x1024xf32>
    %add3A_175 = arith.addf %sub3A_170, %add3A_174 : vector<1024x1024xf32>
    %reduce_min3A_176 = arith.constant dense<0x7F800000> : vector<1024xf32>
    %reduce_min3A_177 = vector.multi_reduction <minimumf>, %add3A_175, %reduce_min3A_176 [1] : vector<1024x1024xf32> to vector<1024xf32>
    %broadcast_in_dim3A_178 = vector.shape_cast %reduce_min3A_177 : vector<1024xf32> to vector<1024x1xf32>
    %eq3A_179 = vector.broadcast %broadcast_in_dim3A_178 : vector<1024x1xf32> to vector<1024x1024xf32>
    %eq3A_180 = arith.cmpf oeq, %add3A_175, %eq3A_179 : vector<1024x1024xf32>
    %get3A_181 = arith.constant 0 : index
    %get3A_182 = arith.constant 5120 : index
    %get3A_183 = vector.load %arg5[%get3A_181, %get3A_182] : memref<1x8192xf32, #tpu.memory_space<vmem>>, vector<1x1024xf32>
    %jit3A_184 = arith.constant 0x7F800000 : f32
    %broadcast_in_dim3A_185 = vector.shape_cast %get3A_183 : vector<1x1024xf32> to vector<1x1024xf32>
    %broadcast_in_dim3A_186 = vector.broadcast %broadcast_in_dim3A_185 : vector<1x1024xf32> to vector<1024x1024xf32>
    %broadcast_in_dim3A_187 = vector.broadcast %jit3A_184 : f32 to vector<1024x1024xf32>
    %select_n3A_188 = arith.select %eq3A_180, %broadcast_in_dim3A_186, %broadcast_in_dim3A_187 : vector<1024x1024xi1>, vector<1024x1024xf32>
    %reduce_min3A_189 = arith.constant dense<0x7F800000> : vector<1024xf32>
    %reduce_min3A_190 = vector.multi_reduction <minimumf>, %select_n3A_188, %reduce_min3A_189 [1] : vector<1024x1024xf32> to vector<1024xf32>
    %broadcast_in_dim3A_191 = vector.shape_cast %reduce_min3A_190 : vector<1024xf32> to vector<1024x1xf32>
    %convert_element_type3A_192 = arith.fptosi %broadcast_in_dim3A_191 : vector<1024x1xf32> to vector<1024x1xi32>
    %lt3A_193 = arith.cmpf olt, %broadcast_in_dim3A_178, %select_n3A_163 : vector<1024x1xf32>
    %select_n3A_194 = arith.select %lt3A_193, %convert_element_type3A_192, %select_n3A_162 : vector<1024x1xi1>, vector<1024x1xi32>
    %select_n3A_195 = arith.select %lt3A_193, %broadcast_in_dim3A_178, %select_n3A_163 : vector<1024x1xi1>, vector<1024x1xf32>
    %get3A_196 = arith.constant 6144 : index
    %get3A_197 = arith.constant 0 : index
    %get3A_198 = vector.load %arg2[%get3A_196, %get3A_197] : memref<8192x256xf32, #tpu.memory_space<vmem>>, vector<1024x256xf32>
    %dot_general3A_199 = arith.constant dense<0.000000e+00> : vector<1024x1024xf32>
    %dot_general3A_200 = tpu.matmul %add3A, %get3A_198, %dot_general3A_199 {dimension_numbers = #tpu.dot_dimension_numbers<[1], [1], [0], [0], [0, 0, 1, 0], [], []>, transpose_lhs_hint = false} : vector<1024x256xf32>, vector<1024x256xf32>, vector<1024x1024xf32> -> vector<1024x1024xf32>
    %sub3A_201 = vector.broadcast %get3A_6 : vector<1024x1xf32> to vector<1024x1024xf32>
    %sub3A_202 = arith.subf %sub3A_201, %dot_general3A_200 : vector<1024x1024xf32>
    %get3A_203 = arith.constant 0 : index
    %get3A_204 = arith.constant 6144 : index
    %get3A_205 = vector.load %arg4[%get3A_203, %get3A_204] : memref<1x8192xf32, #tpu.memory_space<vmem>>, vector<1x1024xf32>
    %add3A_206 = vector.broadcast %get3A_205 : vector<1x1024xf32> to vector<1024x1024xf32>
    %add3A_207 = arith.addf %sub3A_202, %add3A_206 : vector<1024x1024xf32>
    %reduce_min3A_208 = arith.constant dense<0x7F800000> : vector<1024xf32>
    %reduce_min3A_209 = vector.multi_reduction <minimumf>, %add3A_207, %reduce_min3A_208 [1] : vector<1024x1024xf32> to vector<1024xf32>
    %broadcast_in_dim3A_210 = vector.shape_cast %reduce_min3A_209 : vector<1024xf32> to vector<1024x1xf32>
    %eq3A_211 = vector.broadcast %broadcast_in_dim3A_210 : vector<1024x1xf32> to vector<1024x1024xf32>
    %eq3A_212 = arith.cmpf oeq, %add3A_207, %eq3A_211 : vector<1024x1024xf32>
    %get3A_213 = arith.constant 0 : index
    %get3A_214 = arith.constant 6144 : index
    %get3A_215 = vector.load %arg5[%get3A_213, %get3A_214] : memref<1x8192xf32, #tpu.memory_space<vmem>>, vector<1x1024xf32>
    %jit3A_216 = arith.constant 0x7F800000 : f32
    %broadcast_in_dim3A_217 = vector.shape_cast %get3A_215 : vector<1x1024xf32> to vector<1x1024xf32>
    %broadcast_in_dim3A_218 = vector.broadcast %broadcast_in_dim3A_217 : vector<1x1024xf32> to vector<1024x1024xf32>
    %broadcast_in_dim3A_219 = vector.broadcast %jit3A_216 : f32 to vector<1024x1024xf32>
    %select_n3A_220 = arith.select %eq3A_212, %broadcast_in_dim3A_218, %broadcast_in_dim3A_219 : vector<1024x1024xi1>, vector<1024x1024xf32>
    %reduce_min3A_221 = arith.constant dense<0x7F800000> : vector<1024xf32>
    %reduce_min3A_222 = vector.multi_reduction <minimumf>, %select_n3A_220, %reduce_min3A_221 [1] : vector<1024x1024xf32> to vector<1024xf32>
    %broadcast_in_dim3A_223 = vector.shape_cast %reduce_min3A_222 : vector<1024xf32> to vector<1024x1xf32>
    %convert_element_type3A_224 = arith.fptosi %broadcast_in_dim3A_223 : vector<1024x1xf32> to vector<1024x1xi32>
    %lt3A_225 = arith.cmpf olt, %broadcast_in_dim3A_210, %select_n3A_195 : vector<1024x1xf32>
    %select_n3A_226 = arith.select %lt3A_225, %convert_element_type3A_224, %select_n3A_194 : vector<1024x1xi1>, vector<1024x1xi32>
    %select_n3A_227 = arith.select %lt3A_225, %broadcast_in_dim3A_210, %select_n3A_195 : vector<1024x1xi1>, vector<1024x1xf32>
    %get3A_228 = arith.constant 7168 : index
    %get3A_229 = arith.constant 0 : index
    %get3A_230 = vector.load %arg2[%get3A_228, %get3A_229] : memref<8192x256xf32, #tpu.memory_space<vmem>>, vector<1024x256xf32>
    %dot_general3A_231 = arith.constant dense<0.000000e+00> : vector<1024x1024xf32>
    %dot_general3A_232 = tpu.matmul %add3A, %get3A_230, %dot_general3A_231 {dimension_numbers = #tpu.dot_dimension_numbers<[1], [1], [0], [0], [0, 0, 1, 0], [], []>, transpose_lhs_hint = false} : vector<1024x256xf32>, vector<1024x256xf32>, vector<1024x1024xf32> -> vector<1024x1024xf32>
    %sub3A_233 = vector.broadcast %get3A_6 : vector<1024x1xf32> to vector<1024x1024xf32>
    %sub3A_234 = arith.subf %sub3A_233, %dot_general3A_232 : vector<1024x1024xf32>
    %get3A_235 = arith.constant 0 : index
    %get3A_236 = arith.constant 7168 : index
    %get3A_237 = vector.load %arg4[%get3A_235, %get3A_236] : memref<1x8192xf32, #tpu.memory_space<vmem>>, vector<1x1024xf32>
    %add3A_238 = vector.broadcast %get3A_237 : vector<1x1024xf32> to vector<1024x1024xf32>
    %add3A_239 = arith.addf %sub3A_234, %add3A_238 : vector<1024x1024xf32>
    %reduce_min3A_240 = arith.constant dense<0x7F800000> : vector<1024xf32>
    %reduce_min3A_241 = vector.multi_reduction <minimumf>, %add3A_239, %reduce_min3A_240 [1] : vector<1024x1024xf32> to vector<1024xf32>
    %broadcast_in_dim3A_242 = vector.shape_cast %reduce_min3A_241 : vector<1024xf32> to vector<1024x1xf32>
    %eq3A_243 = vector.broadcast %broadcast_in_dim3A_242 : vector<1024x1xf32> to vector<1024x1024xf32>
    %eq3A_244 = arith.cmpf oeq, %add3A_239, %eq3A_243 : vector<1024x1024xf32>
    %get3A_245 = arith.constant 0 : index
    %get3A_246 = arith.constant 7168 : index
    %get3A_247 = vector.load %arg5[%get3A_245, %get3A_246] : memref<1x8192xf32, #tpu.memory_space<vmem>>, vector<1x1024xf32>
    %jit3A_248 = arith.constant 0x7F800000 : f32
    %broadcast_in_dim3A_249 = vector.shape_cast %get3A_247 : vector<1x1024xf32> to vector<1x1024xf32>
    %broadcast_in_dim3A_250 = vector.broadcast %broadcast_in_dim3A_249 : vector<1x1024xf32> to vector<1024x1024xf32>
    %broadcast_in_dim3A_251 = vector.broadcast %jit3A_248 : f32 to vector<1024x1024xf32>
    %select_n3A_252 = arith.select %eq3A_244, %broadcast_in_dim3A_250, %broadcast_in_dim3A_251 : vector<1024x1024xi1>, vector<1024x1024xf32>
    %reduce_min3A_253 = arith.constant dense<0x7F800000> : vector<1024xf32>
    %reduce_min3A_254 = vector.multi_reduction <minimumf>, %select_n3A_252, %reduce_min3A_253 [1] : vector<1024x1024xf32> to vector<1024xf32>
    %broadcast_in_dim3A_255 = vector.shape_cast %reduce_min3A_254 : vector<1024xf32> to vector<1024x1xf32>
    %convert_element_type3A_256 = arith.fptosi %broadcast_in_dim3A_255 : vector<1024x1xf32> to vector<1024x1xi32>
    %lt3A_257 = arith.cmpf olt, %broadcast_in_dim3A_242, %select_n3A_227 : vector<1024x1xf32>
    %select_n3A_258 = arith.select %lt3A_257, %convert_element_type3A_256, %select_n3A_226 : vector<1024x1xi1>, vector<1024x1xi32>
    %select_n3A_259 = arith.select %lt3A_257, %broadcast_in_dim3A_242, %select_n3A_227 : vector<1024x1xi1>, vector<1024x1xf32>
    %swap3A = arith.constant 0 : index
    %swap3A_260 = arith.constant 0 : index
    %swap3A_261 = vector.load %arg6[%swap3A, %swap3A_260] : memref<1024x1xi32, #tpu.memory_space<vmem>>, vector<1024x1xi32>
    tpu.vector_store %arg6[%swap3A, %swap3A_260], %select_n3A_258 {strides = array<i32>} : memref<1024x1xi32, #tpu.memory_space<vmem>>, vector<1024x1xi32>,
    %get3A_262 = arith.constant 0 : index
    %get3A_263 = arith.constant 0 : index
    %get3A_264 = vector.load %arg7[%get3A_262, %get3A_263] : memref<1x1xf32, #tpu.memory_space<vmem>>, vector<1x1xf32>
    %reduce_sum3A = arith.constant dense<0.000000e+00> : vector<1xf32>
    %reduce_sum3A_265 = vector.multi_reduction <add>, %select_n3A_259, %reduce_sum3A [0] : vector<1024x1xf32> to vector<1xf32>
    %broadcast_in_dim3A_266 = vector.shape_cast %reduce_sum3A_265 : vector<1xf32> to vector<1x1xf32>
    %add3A_267 = arith.addf %get3A_264, %broadcast_in_dim3A_266 : vector<1x1xf32>
    %swap3A_268 = arith.constant 0 : index
    %swap3A_269 = arith.constant 0 : index
    %swap3A_270 = vector.load %arg7[%swap3A_268, %swap3A_269] : memref<1x1xf32, #tpu.memory_space<vmem>>, vector<1x1xf32>
    tpu.vector_store %arg7[%swap3A_268, %swap3A_269], %add3A_267 {strides = array<i32>} : memref<1x1xf32, #tpu.memory_space<vmem>>, vector<1x1xf32>,
    %eq3A_271 = arith.constant 15 : i32
    %eq3A_272 = arith.cmpi eq, %arg0, %eq3A_271 : i32
    %convert_element_type3A_273 = arith.extui %eq3A_272 : i1 to i32
    %cond3A_274 = arith.constant 0 : i32
    %cond3A_275 = arith.cmpi ne, %convert_element_type3A_273, %cond3A_274 : i32
    scf.if %cond3A_275 {
      %get3A_276 = arith.constant 0 : index
      %get3A_277 = arith.constant 0 : index
      %get3A_278 = vector.load %arg7[%get3A_276, %get3A_277] : memref<1x1xf32, #tpu.memory_space<vmem>>, vector<1x1xf32>
      %mul3A = arith.constant 4.76837158E-7 : f32
      %mul3A_279 = vector.broadcast %mul3A : f32 to vector<1x1xf32>
      %mul3A_280 = arith.mulf %get3A_278, %mul3A_279 : vector<1x1xf32>
      %swap3A_281 = arith.constant 0 : index
      %swap3A_282 = arith.constant 0 : index
      %swap3A_283 = vector.load %arg7[%swap3A_281, %swap3A_282] : memref<1x1xf32, #tpu.memory_space<vmem>>, vector<1x1xf32>
      tpu.vector_store %arg7[%swap3A_281, %swap3A_282], %mul3A_280 {strides = array<i32>} : memref<1x1xf32, #tpu.memory_space<vmem>>, vector<1x1xf32>,
    } else {
    }
    return
  }
  func.func @transform_0(%arg0: i32) -> (i32, i32) {
    %c0_i32 = arith.constant 0 : i32
    %c0_i32_0 = arith.constant 0 : i32
    return %arg0, %c0_i32 : i32, i32
  }
  func.func @transform_1(%arg0: i32) -> (i32, i32) {
    %c0_i32 = arith.constant 0 : i32
    %c0_i32_0 = arith.constant 0 : i32
    %c0_i32_1 = arith.constant 0 : i32
    return %c0_i32, %c0_i32_0 : i32, i32
  }
  func.func @transform_2(%arg0: i32) -> (i32, i32) {
    %c0_i32 = arith.constant 0 : i32
    %c0_i32_0 = arith.constant 0 : i32
    return %arg0, %c0_i32 : i32, i32
  }
  func.func @transform_3(%arg0: i32) -> (i32, i32) {
    %c0_i32 = arith.constant 0 : i32
    %c0_i32_0 = arith.constant 0 : i32
    %c0_i32_1 = arith.constant 0 : i32
    return %c0_i32, %c0_i32_0 : i32, i32
  }
  func.func @transform_4(%arg0: i32) -> (i32, i32) {
    %c0_i32 = arith.constant 0 : i32
    %c0_i32_0 = arith.constant 0 : i32
    %c0_i32_1 = arith.constant 0 : i32
    return %c0_i32, %c0_i32_0 : i32, i32
  }
  func.func @transform_5(%arg0: i32) -> (i32, i32) {
    %c0_i32 = arith.constant 0 : i32
    %c0_i32_0 = arith.constant 0 : i32
    return %arg0, %c0_i32 : i32, i32
  }
  func.func @transform_6(%arg0: i32) -> (i32, i32) {
    %c0_i32 = arith.constant 0 : i32
    %c0_i32_0 = arith.constant 0 : i32
    %c0_i32_1 = arith.constant 0 : i32
    return %c0_i32, %c0_i32_0 : i32, i32
  }
}

</mosaic_0001>

<sc_bundles>
// kernel: kernel.4.cloned.1.call-start
scs
__scs_entry_jumppad:
0x0: {  	(pc) =	sbr.rel $0x88, $3  }
0x1: {  	(tag) =	ssettag $0x0;
	lr =	simm.s32 $0x1  }
0x2: {  	[smem:$0x3F9F] =	sst lr;
	_ =	strace $0xD0000000  }
0x3: {  	_ = 	snop  }
0x4: {  	_ = 	snop  }
0x5: {  	_ = 	snop  }
0x6: {  	_ = 	snop  }
0x7: {  	_ = 	snop  }
__scs_overlays_trampoline_lowered:
0x8: {  	[smem:$0x3FAE] =	sst s0  }
0x9: {  	[smem:$0x3FAF] =	sst s1  }
0xa: {  	[smem:$0x3FB0] =	sst s2  }
0xb: {  	[smem:$0x3FB1] =	sst s3  }
0xc: {  	[smem:$0x3FB2] =	sst s4  }
0xd: {  	[smem:$0x3FB3] =	sst s5  }
0xe: {  	[smem:$0x3FB4] =	sst s6  }
0xf: {  	[smem:$0x3FB5] =	sst s7  }
0x10: {  	[smem:$0x3FB6] =	sst s8  }
0x11: {  	[smem:$0x3FB7] =	sst s9;
	s0 =	simm.s32 @!p0 $0x0  }
0x12: {  	s1 =	sld [smem:$0x3F9D];
	s0 =	simm.s32 @p0 $0x1  }
0x13: {  	[smem:$0x3FB8] =	sst s0;
	s0 =	simm.s32 @!p1 $0x0  }
0x14: {  	s2 =	sld [smem:$0x3F9C];
	s0 =	simm.s32 @p1 $0x1  }
0x15: {  	[smem:$0x3FB9] =	sst s0;
	s0 =	simm.s32 @!p2 $0x0  }
0x16: {  	s3 =	sld [smem:$0x3FDB];
	s0 =	simm.s32 @p2 $0x1  }
0x17: {  	s4 =	simm.s32 $0x1BF5;
	[smem:$0x3FBB] =	sst s0  }
0x18: {  	s0 =	sld [smem:$0x3F9E];
	_ =	swait.ge [sflag:s4], $0x0  }
0x19: {  	s7 =	sld [smem:$0x3F9F]  }
0x1a: {  	s8 =	sadd.s32 $0xFFFFE003, lr  }
0x1b: {  	s9 =	sadd.s32 $0xFFFFFEF7, lr;
	s5 =	simm.s32 $0xFFFFFFFF;
	p2 =	slt.u32 s8, $0xFFFFF086  }
0x1c: {  	p1 =	slt.u32 s9, $0xF7A;
	s5 =	simm.s32 @!p2 $0x0  }
0x1d: {  	s5 =	simm.s32 @p1 $0x1;
	p0 =	seq.s32 s7, s2  }
0x1e: {  	s7 =	smul.u32 @!p0 $0xF7A, s2;
	p2 =	seq.s32 @!p0 s5, $0x0  }
0x1f: {  	s9 =	smul.u32 $0xF7A, s1;
	s8 =	simm.s32 @!p0 $0x1BF5;
	p2 =	por !p2, p0  }
0x20: {  	[sflag:s8] =	ssyncset.s32 @!p0 $0xFFFFF086;
	s6 =	sadd.s32 @!p0 s3, s7;
	s7 =	simm.s32 @!p0 $0x108  }
0x21: {  	s3 =	sadd.s32 s3, s9;
	s6 =	sadd.s32 @!p0 $0x88, s6;
	s7 =	simm.s32 @p2 $0x1082  }
0x22: {  	[simem:s7], [sflag:s8] =	dma.local @!p0 [hbm:s6], $0xF7A  }
0x23: {  	s9 =	sor.u32 $0xD0000000, s2;
	s6 =	simm.s32 $0x108;
	_ =	swait.ge @!p0 [sflag:s8], $0x0  }
0x24: {  	s3 =	sadd.s32 $0x88, s3;
	s6 =	simm.s32 @!p1 $0x1082;
	[sflag:s4] =	ssyncset.s32 $0xFFFFF086  }
0x25: {  	[simem:s6], [sflag:s4] =	dma.local [hbm:s3], $0xF7A  }
0x26: {  	[smem:$0x3F9F] =	sst s1;
	(tag) =	ssettag s2;
	_ =	strace s9  }
0x27: {  	s1 =	sld [smem:$0x3FAF]  }
0x28: {  	s2 =	sld [smem:$0x3FB0]  }
0x29: {  	s4 =	sld [smem:$0x3FB2]  }
0x2a: {  	p0 =	seq.s32 s5, $0x0;
	s5 =	sld [smem:$0x3FB3]  }
0x2b: {  	s6 =	sld [smem:$0x3FB4]  }
0x2c: {  	s7 =	sld [smem:$0x3FB5]  }
0x2d: {  	s3 =	simm.s32 $0x108;
	s8 =	sld [smem:$0x3FB6]  }
0x2e: {  	s3 =	simm.s32 @!p0 $0x1082;
	s9 =	sld [smem:$0x3FB7]  }
0x2f: {  	lr =	sadd.s32 s0, s3;
	s0 =	sld [smem:$0x3FAE]  }
0x30: {  	s3 =	sld [smem:$0x3FB1]  }
0x31: {  	[smem:$0x3FBA] =	sst s10  }
0x32: {  	s10 =	sld [smem:$0x3FB8];
	_ =	sdelay $0x3  }
0x33: {  	p0 =	seq.s32 s10, $0x1;
	s10 =	sld [smem:$0x3FBA];
	_ =	sdelay $0x3  }
0x34: {  	[smem:$0x3FBA] =	sst s10  }
0x35: {  	s10 =	sld [smem:$0x3FB9];
	_ =	sdelay $0x3  }
0x36: {  	p1 =	seq.s32 s10, $0x1;
	s10 =	sld [smem:$0x3FBA];
	_ =	sdelay $0x3  }
0x37: {  	[smem:$0x3FBA] =	sst s10  }
0x38: {  	s10 =	sld [smem:$0x3FBB]  }
0x39: {  	_ = 	snop;
	(pc) =	sbr.ind lr, $3  }
0x3a: {  	_ = 	snop  }
0x3b: {  	_ = 	snop  }
0x3c: {  	p2 =	seq.s32 s10, $0x1;
	s10 =	sld [smem:$0x3FBA]  }
0x3d: {  	_ =	shalt  }
0x3e: {  	_ =	shalt  }
0x3f: {  	_ =	shalt  }
0x40: {  	_ =	shalt  }
0x41: {  	_ =	shalt  }
0x42: {  	_ =	shalt  }
0x43: {  	_ =	shalt  }
0x44: {  	_ =	shalt  }
0x45: {  	_ =	shalt  }
0x46: {  	_ =	shalt  }
0x47: {  	_ =	shalt  }
0x48: {  	_ =	shalt  }
0x49: {  	_ =	shalt  }
0x4a: {  	_ =	shalt  }
0x4b: {  	_ =	shalt  }
0x4c: {  	_ =	shalt  }
0x4d: {  	_ =	shalt  }
0x4e: {  	_ =	shalt  }
0x4f: {  	_ =	shalt  }
0x50: {  	_ =	shalt  }
0x51: {  	_ =	shalt  }
0x52: {  	_ =	shalt  }
0x53: {  	_ =	shalt  }
0x54: {  	_ =	shalt  }
0x55: {  	_ =	shalt  }
0x56: {  	_ =	shalt  }
0x57: {  	_ =	shalt  }
0x58: {  	_ =	shalt  }
0x59: {  	_ =	shalt  }
0x5a: {  	_ =	shalt  }
0x5b: {  	_ =	shalt  }
0x5c: {  	_ =	shalt  }
0x5d: {  	_ =	shalt  }
0x5e: {  	_ =	shalt  }
0x5f: {  	_ =	shalt  }
0x60: {  	_ =	shalt  }
0x61: {  	_ =	shalt  }
0x62: {  	_ =	shalt  }
0x63: {  	_ =	shalt  }
0x64: {  	_ =	shalt  }
0x65: {  	_ =	shalt  }
0x66: {  	_ =	shalt  }
0x67: {  	_ =	shalt  }
0x68: {  	_ =	shalt  }
0x69: {  	_ =	shalt  }
0x6a: {  	_ =	shalt  }
0x6b: {  	_ =	shalt  }
0x6c: {  	_ =	shalt  }
0x6d: {  	_ =	shalt  }
0x6e: {  	_ =	shalt  }
0x6f: {  	_ =	shalt  }
0x70: {  	_ =	shalt  }
0x71: {  	_ =	shalt  }
0x72: {  	_ =	shalt  }
0x73: {  	_ =	shalt  }
0x74: {  	_ =	shalt  }
0x75: {  	_ =	shalt  }
0x76: {  	_ =	shalt  }
0x77: {  	_ =	shalt  }
0x78: {  	_ =	shalt  }
0x79: {  	_ =	shalt  }
0x7a: {  	_ =	shalt  }
0x7b: {  	_ =	shalt  }
0x7c: {  	_ =	shalt  }
0x7d: {  	_ =	shalt  }
0x7e: {  	_ =	shalt  }
0x7f: {  	_ =	shalt  }
0x80: {  	_ =	shalt  }
0x81: {  	_ =	shalt  }
0x82: {  	_ =	shalt  }
0x83: {  	_ =	shalt  }
0x84: {  	_ =	shalt  }
0x85: {  	_ =	shalt  }
0x86: {  	_ =	shalt  }
0x87: {  	_ =	shalt  }
.Lfunc_end0:
.L_simem_size_0:
called_computation_lowered:
.L_overlay_start_0:
0x88: {  	s2 =	sld [smem:$0x3FD9]  }
0x89: {  	s3 =	sld [smem:$0x3FFE];
	_ =	sdelay $0x1  }
0x8a: {  	s1 =	srdreg.scid  }
0x8b: {  	s0 =	sand.u32 $0x1, s1  }
0x8c: {  	s14 =	sshll.u32 s0, $0xA;
	s2 =	sadd.s32 s3, s2  }
0x8d: {  	s2 =	sadd.s32 s2, s14  }
0x8e: {  	[smem:$0x3FC6] =	sst s2  }
0x8f: {  	_ = 	snop  }
0x90: {  	s2 =	sld [smem:$0x3FD0];
	_ =	sdelay $0x2  }
0x91: {  	s4 =	simm.s32 $0xA;
	s5 =	simm.s32 $0x10;
	s15 =	sld [smem:$0x3FC8]  }
0x92: {  	[smem:s5], [sflag:s4] =	dma.local [hbm:s2], $0x1  }
0x93: {  	_ =	swait.eq [sflag:s4], $0x1  }
0x94: {  	[sflag:s4] =	ssyncset.done $0x0  }
0x95: {  	[sflag:s4] =	ssyncadd.s32 $0xFFFFFFFF  }
0x96: {  	s16 =	sld [smem:$0x10];
	(tm) =	ssettm $0x1  }
0x97: {  	s17 =	sld [smem:$0x3FFB];
	_ =	sdelay $0x3  }
0x98: {  	_ =	strace s17  }
0x99: {  	s4 =	sld [smem:$0x3FFC];
	_ =	sdelay $0x3  }
0x9a: {  	_ =	strace s4  }
0x9b: {  	s4 =	sld [smem:$0x3FFD];
	_ =	sdelay $0x3  }
0x9c: {  	_ =	strace s4  }
0x9d: {  	_ =	strace $0x8FFFFFFF  }
0x9e: {  	s18 =	sld [smem:$0x3FDB];
	_ =	sdelay $0x1  }
0x9f: {  	s19 =	simm.s32 $_scs_section_size  }
0xa0: {  	s6 =	simm.s32 $_size__tile_overlayer_lowered;
	s7 =	simm.s32 $_tile_overlayer_lowered  }
0xa1: {  	s22 =	simm.s32 $0x1BFF;
	s21 =	sshll.u32 s7, $0x1;
	s4 =	sadd.s32 s19, s18  }
0xa2: {  	s8 =	simm.s32 $0x0;
	s20 =	sshll.u32 s6, $0x1;
	s6 =	sadd.s32 s21, s4  }
0xa3: {  	[timem:s8], [sflag:s22] =	dma.local [hbm:s6], s20  }
0xa4: {  	_ =	swait.ge [sflag:s22], s20  }
0xa5: {  	s5 =	ssub.s32 $0x0, s20;
	[sflag:s22] =	ssyncset.done $0x0  }
0xa6: {  	[sflag:s22] =	ssyncadd.s32 s5;
	_ =	sdelay $0x1  }
0xa7: {  	s23 =	simm.s32 $0x1B8B  }
0xa8: {  	_ =	swait.ge [sflag:s23], $0x1  }
0xa9: {  	[sflag:s23] =	ssyncset.done $0x0  }
0xaa: {  	s25 =	simm.s32 $0x1B8E;
	s24 =	sld [smem:$0x3FFE];
	[sflag:s23] =	ssyncadd.s32 $0xFFFFFFFF  }
0xab: {  	s26 =	simm.s32 $execute0_lowered;
	[smem:$0x3FD2] =	sst s25  }
0xac: {  	s6 =	sshll.u32 s26, $0x1;
	_ =	strace $0x80000046;
	[dreg:$0x1] =	wrdreg $0xFFFFFFFF  }
0xad: {  	s28 =	simm.s32 $_size_execute0_lowered;
	s4 =	sadd.s32 s4, s6;
	[dreg:$0x0] =	wrdreg $0x0  }
0xae: {  	s6 =	sshll.u32 s28, $0x1;
	[dreg:$0x2] =	wrdreg s4  }
0xaf: {  	[dreg:$0x3] =	wrdreg s6  }
0xb0: {  	[dreg:$0x4] =	wrdreg $0xC0  }
0xb1: {  	_ =	task [dreg:s8], $0x5FFFF  }
0xb2: {  	[dreg:$0x1] =	wrdreg $0xFFFFFFFF  }
0xb3: {  	[dreg:$0x0] =	wrdreg $0x60  }
0xb4: {  	[dreg:$0x2] =	wrdreg s15  }
0xb5: {  	[dreg:$0x3] =	wrdreg s24  }
0xb6: {  	[dreg:$0x4] =	wrdreg s16  }
0xb7: {  	[dreg:$0x5] =	wrdreg $0x9  }
0xb8: {  	_ =	task.clear_ibuf [dreg:s8], $0x6FFFF;
	_ =	strace $0x90000046  }
0xb9: {  	s29 =	simm.s32 $0x9;
	_ =	strace $0x80000048  }
0xba: {  	_ =	swait.ge [sflag:s29], $0x1  }
0xbb: {  	[sflag:s29] =	ssyncadd.s32 $0xFFFFFFFF  }
0xbc: {  	_ =	strace $0x90000048  }
0xbd: {  	_ =	sfence  }
0xbe: {  	s30 =	sld [smem:$0x0];
	_ =	sdelay $0x2  }
0xbf: {  	s31 =	sshll.u32 s1, $0xD;
	s1 =	sshrl.u32 s1, $0x2  }
0xc0: {  	s3 =	sand.u32 $0x4000, s31;
	s1 =	sadd.s32 s1, s30  }
0xc1: {  	s0 =	sor.u32 s3, s0;
	s1 =	sshll.u32 s1, $0x11  }
0xc2: {  	s0 =	sor.u32 s1, s0  }
0xc3: {  	s0 =	sadd.s32 $0x8F2B, s0  }
0xc4: {  	[sflag:s0] =	ssyncadd.remote.s32 $0x1  }
0xc5: {  	_ =	sfence.sel $0xFFFF  }
0xc6: {  	[dreg:$0x0] =	wrdreg $0xFFFFFFFF;
	(pc) =	sbr.abs _section_cstart, $3  }
0xc7: {  	[dreg:$0x1] =	wrdreg $0xFFFFFFFF  }
0xc8: {  	_ =	task.clear_ibuf [dreg:s8], $0x2FFFF;
	_ =	strace $0x9FFFFFFF  }
0xc9: {  	(tm) =	ssettm $0x7FFFFFFF  }
tec
execute0_lowered:
.L_overlay_start_1:
0x0: {  	(tag) =	ssettag $0x1  }
0x1: {  	s1 =	rddreg [dreg:$0x0]  }
0x2: {  	s0 =	rddreg [dreg:$0x1]  }
0x3: {  	s2 =	rddreg [dreg:$0x2];
	s4 =	srdreg.scid  }
0x4: {  	s3 =	simm.s32 $0x0;
	s5 =	stileid.u32;
	s14 =	simm.s32 $0x2  }
0x5: {  	s15 =	simm.s32 $0x3;
	s28 =	simm.s32 $0x4900;
	s29 =	simm.s32 $0x5100  }
0x6: {  	s30 =	simm.s32 $0x5900;
	s31 =	simm.s32 $0x6100;
	s11 =	simm.s32 $0x9900  }
0x7: {  	s12 =	simm.s32 $0xA100;
	s4 =	sand.u32 $0x1, s4;
	[smem:$0x7FF] =	sst s3  }
0x8: {  	s5 =	sshll.u32 s5, $0xA;
	s6 =	sshll.u32 s4, $0x9;
	s4 =	ssub.s32 $0x2, s4  }
0x9: {  	_ =	strace $0x80000047;
	s5 =	sor.u32 s6, s5;
	s24 =	sshrl.u32 s4, $0x1  }
0xa: {  	s6 =	sor.u32 $0x80, s5;
	s7 =	sor.u32 $0x100, s5;
	s8 =	sshrl.u32 s5, $0x3  }
0xb: {  	s9 =	sor.u32 $0x180, s5;
	s5 =	sshll.u32 s5, $0x5;
	s26 =	ssub.s32 s4, s24  }
0xc: {  	s24 =	simm.s32 $0x3100;
	s8 =	sadd.s32 s0, s8;
	s10 =	sshrl.u32 s6, $0x3  }
0xd: {  	s5 =	sadd.s32 s2, s5;
	s6 =	sshll.u32 s6, $0x5;
	s18 =	sshrl.u32 s7, $0x3  }
0xe: {  	s20 =	sshrl.u32 s9, $0x3;
	s21 =	sshll.u32 s7, $0x5;
	s23 =	sshll.u32 s9, $0x5  }
0xf: {  	s4 =	smax.u32 s26, $0x1;
	s26 =	simm.s32 $0x4100;
	s7 =	simm.s32 $0x7900  }
0x10: {  	s9 =	simm.s32 $0x8900;
	[dreg:$0x4] =	wrdreg s8;
	s16 =	sadd.s32 s0, s10  }
0x11: {  	[dreg:$0x6] =	wrdreg s5;
	s17 =	sadd.s32 s2, s6;
	s19 =	sadd.s32 s0, s18  }
0x12: {  	s0 =	sadd.s32 s0, s20;
	s22 =	sadd.s32 s2, s21;
	[dreg:$0x5] =	wrdreg s16  }
0x13: {  	s25 =	sadd.s32 s2, s23;
	s5 =	simm.s32 $0x5;
	[dreg:$0x7] =	wrdreg s17  }
0x14: {  	s8 =	simm.s32 $0x1;
	s18 =	simm.s32 $0x900;
	[dreg:$0x8] =	wrdreg s19  }
0x15: {  	s20 =	simm.s32 $0x1900;
	s21 =	simm.s32 $0x2100;
	[dreg:$0x9] =	wrdreg s0  }
0x16: {  	v2 =	vlaneseq.u32;
	s6 =	simm.s32 $0x6900;
	s10 =	simm.s32 $0x9100;
	[dreg:$0xa] =	wrdreg s22  }
0x17: {  	vm0 =	vmmov $0xffff;
	v1 =	vshrl.u32 v2, $0x3;
	s23 =	simm.s32 $0xA900;
	[dreg:$0xb] =	wrdreg s25;
	s16 =	simm.s32 $0x4  }
0x18: {  	v0 =	vand.u32 $0x7, v2;
	v2 =	vor.u32 $0x8, v2;
	v1 =	vmul.u32 $0x8, v1;
	s19 =	simm.s32 $0x1100;
	s22 =	simm.s32 $0x2900;
	s25 =	simm.s32 $0x3900  }
.LBB2_1:
0x19: {  	s17 =	rddreg [dreg:$0x4]  }
0x1a: {  	[tilespmem:s3], [sflag:$0x5] =	stream.linear.gather [hbm4b:s17+s3], $0x80, $0x38;
	[tilespmem:$0x10100] =	vst v63  }
0x1b: {  	_ =	swait.ge [sflag:s5], $0x80  }
0x1c: {  	[sflag:s5] =	ssyncset.done $0x0  }
0x1d: {  	[sflag:s5] =	ssyncadd.s32 $0xFFFFFF80  }
0x1e: {  	v3 =	vld [tilespmem:$0x0];
	_ =	sdelay $0x4  }
0x1f: {  	v4 =	vshll.u32 v3, $0x1  }
0x20: {  	v3 =	vand.u32 $0x7, v3;
	v4 =	vand.u32 $0xFFFFFFF0, v4  }
0x21: {  	v3 =	vor.u32 v3, v4  }
0x22: {  	v4 =	vperm.xlane v3, v0;
	_ =	sdelay $0x1  }
0x23: {  	v3 =	vperm.xlane v3, v2;
	v4 =	vadd.s32 v1, v4;
	_ =	sdelay $0x1  }
0x24: {  	v3 =	vadd.s32 v1, v3;
	_ =	sdelay $0x1  }
0x25: {  	s0 =	simm.s32 $0x100  }
0x26: {  	[tilespmem:s0], [sflag:$0x1] =	stream.indirect_vreg.gather [hbm4b:s1+s3], $0x80, v4, vm0, $0xb8;
	[tilespmem:$0x10100] =	vst v63  }
0x27: {  	_ = 	snop  }
0x28: {  	[tilespmem:s18], [sflag:$0x1] =	stream.indirect_vreg.gather [hbm4b:s1+s3], $0x80, v3, vm0, $0xb8;
	[tilespmem:$0x10100] =	vst v63  }
0x29: {  	v3 =	vld [tilespmem:$0x10];
	_ =	sdelay $0x4  }
0x2a: {  	v33 =	vshll.u32 v3, $0x1  }
0x2b: {  	v3 =	vand.u32 $0x7, v3;
	v4 =	vand.u32 $0xFFFFFFF0, v33  }
0x2c: {  	v3 =	vor.u32 v3, v4  }
0x2d: {  	v4 =	vperm.xlane v3, v0;
	_ =	sdelay $0x1  }
0x2e: {  	v3 =	vperm.xlane v3, v2;
	v4 =	vadd.s32 v1, v4;
	_ =	sdelay $0x1  }
0x2f: {  	v3 =	vadd.s32 v1, v3;
	_ =	sdelay $0x2  }
0x30: {  	[tilespmem:s19], [sflag:$0x1] =	stream.indirect_vreg.gather [hbm4b:s1+s3], $0x80, v4, vm0, $0xb8;
	[tilespmem:$0x10100] =	vst v63  }
0x31: {  	_ = 	snop  }
0x32: {  	[tilespmem:s20], [sflag:$0x1] =	stream.indirect_vreg.gather [hbm4b:s1+s3], $0x80, v3, vm0, $0xb8;
	[tilespmem:$0x10100] =	vst v63  }
0x33: {  	v3 =	vld [tilespmem:$0x20];
	_ =	sdelay $0x4  }
0x34: {  	v34 =	vshll.u32 v3, $0x1  }
0x35: {  	v3 =	vand.u32 $0x7, v3;
	v4 =	vand.u32 $0xFFFFFFF0, v34  }
0x36: {  	v3 =	vor.u32 v3, v4  }
0x37: {  	v4 =	vperm.xlane v3, v0;
	_ =	sdelay $0x1  }
0x38: {  	v3 =	vperm.xlane v3, v2;
	v4 =	vadd.s32 v1, v4;
	_ =	sdelay $0x1  }
0x39: {  	v3 =	vadd.s32 v1, v3;
	_ =	sdelay $0x2  }
0x3a: {  	[tilespmem:s21], [sflag:$0x1] =	stream.indirect_vreg.gather [hbm4b:s1+s3], $0x80, v4, vm0, $0xb8;
	[tilespmem:$0x10100] =	vst v63  }
0x3b: {  	_ = 	snop  }
0x3c: {  	[tilespmem:s22], [sflag:$0x1] =	stream.indirect_vreg.gather [hbm4b:s1+s3], $0x80, v3, vm0, $0xb8;
	[tilespmem:$0x10100] =	vst v63  }
0x3d: {  	v3 =	vld [tilespmem:$0x30];
	_ =	sdelay $0x4  }
0x3e: {  	v35 =	vshll.u32 v3, $0x1  }
0x3f: {  	v3 =	vand.u32 $0x7, v3;
	v4 =	vand.u32 $0xFFFFFFF0, v35  }
0x40: {  	v3 =	vor.u32 v3, v4  }
0x41: {  	v4 =	vperm.xlane v3, v0;
	_ =	sdelay $0x1  }
0x42: {  	v3 =	vperm.xlane v3, v2;
	v4 =	vadd.s32 v1, v4;
	_ =	sdelay $0x1  }
0x43: {  	v3 =	vadd.s32 v1, v3;
	_ =	sdelay $0x2  }
0x44: {  	[tilespmem:s24], [sflag:$0x1] =	stream.indirect_vreg.gather [hbm4b:s1+s3], $0x80, v4, vm0, $0xb8;
	[tilespmem:$0x10100] =	vst v63  }
0x45: {  	_ = 	snop  }
0x46: {  	[tilespmem:s25], [sflag:$0x1] =	stream.indirect_vreg.gather [hbm4b:s1+s3], $0x80, v3, vm0, $0xb8;
	[tilespmem:$0x10100] =	vst v63  }
0x47: {  	v3 =	vld [tilespmem:$0x40];
	_ =	sdelay $0x4  }
0x48: {  	v36 =	vshll.u32 v3, $0x1  }
0x49: {  	v3 =	vand.u32 $0x7, v3;
	v4 =	vand.u32 $0xFFFFFFF0, v36  }
0x4a: {  	v3 =	vor.u32 v3, v4  }
0x4b: {  	v4 =	vperm.xlane v3, v0;
	_ =	sdelay $0x1  }
0x4c: {  	v3 =	vperm.xlane v3, v2;
	v4 =	vadd.s32 v1, v4;
	_ =	sdelay $0x1  }
0x4d: {  	v3 =	vadd.s32 v1, v3;
	_ =	sdelay $0x2  }
0x4e: {  	[tilespmem:s26], [sflag:$0x1] =	stream.indirect_vreg.gather [hbm4b:s1+s3], $0x80, v4, vm0, $0xb8;
	[tilespmem:$0x10100] =	vst v63  }
0x4f: {  	_ = 	snop  }
0x50: {  	[tilespmem:s28], [sflag:$0x1] =	stream.indirect_vreg.gather [hbm4b:s1+s3], $0x80, v3, vm0, $0xb8;
	[tilespmem:$0x10100] =	vst v63  }
0x51: {  	v3 =	vld [tilespmem:$0x50];
	_ =	sdelay $0x4  }
0x52: {  	v37 =	vshll.u32 v3, $0x1  }
0x53: {  	v3 =	vand.u32 $0x7, v3;
	v4 =	vand.u32 $0xFFFFFFF0, v37  }
0x54: {  	v3 =	vor.u32 v3, v4  }
0x55: {  	v4 =	vperm.xlane v3, v0;
	_ =	sdelay $0x1  }
0x56: {  	v3 =	vperm.xlane v3, v2;
	v4 =	vadd.s32 v1, v4;
	_ =	sdelay $0x1  }
0x57: {  	v3 =	vadd.s32 v1, v3;
	_ =	sdelay $0x2  }
0x58: {  	[tilespmem:s29], [sflag:$0x1] =	stream.indirect_vreg.gather [hbm4b:s1+s3], $0x80, v4, vm0, $0xb8;
	[tilespmem:$0x10100] =	vst v63  }
0x59: {  	_ = 	snop  }
0x5a: {  	[tilespmem:s30], [sflag:$0x1] =	stream.indirect_vreg.gather [hbm4b:s1+s3], $0x80, v3, vm0, $0xb8;
	[tilespmem:$0x10100] =	vst v63  }
0x5b: {  	v3 =	vld [tilespmem:$0x60];
	_ =	sdelay $0x4  }
0x5c: {  	v38 =	vshll.u32 v3, $0x1  }
0x5d: {  	v3 =	vand.u32 $0x7, v3;
	v4 =	vand.u32 $0xFFFFFFF0, v38  }
0x5e: {  	v3 =	vor.u32 v3, v4  }
0x5f: {  	v4 =	vperm.xlane v3, v0;
	_ =	sdelay $0x1  }
0x60: {  	v3 =	vperm.xlane v3, v2;
	v4 =	vadd.s32 v1, v4;
	_ =	sdelay $0x1  }
0x61: {  	v3 =	vadd.s32 v1, v3;
	_ =	sdelay $0x2  }
0x62: {  	[tilespmem:s31], [sflag:$0x1] =	stream.indirect_vreg.gather [hbm4b:s1+s3], $0x80, v4, vm0, $0xb8;
	[tilespmem:$0x10100] =	vst v63  }
0x63: {  	_ = 	snop  }
0x64: {  	[tilespmem:s6], [sflag:$0x1] =	stream.indirect_vreg.gather [hbm4b:s1+s3], $0x80, v3, vm0, $0xb8;
	[tilespmem:$0x10100] =	vst v63  }
0x65: {  	v3 =	vld [tilespmem:$0x70];
	_ =	sdelay $0x4  }
0x66: {  	v39 =	vshll.u32 v3, $0x1  }
0x67: {  	v3 =	vand.u32 $0x7, v3;
	v4 =	vand.u32 $0xFFFFFFF0, v39  }
0x68: {  	v3 =	vor.u32 v3, v4  }
0x69: {  	v4 =	vperm.xlane v3, v0;
	_ =	sdelay $0x1  }
0x6a: {  	v3 =	vperm.xlane v3, v2;
	v4 =	vadd.s32 v1, v4;
	_ =	sdelay $0x1  }
0x6b: {  	v3 =	vadd.s32 v1, v3;
	_ =	sdelay $0x1  }
0x6c: {  	s2 =	simm.s32 $0x7100  }
0x6d: {  	[tilespmem:s2], [sflag:$0x1] =	stream.indirect_vreg.gather [hbm4b:s1+s3], $0x80, v4, vm0, $0xb8;
	[tilespmem:$0x10100] =	vst v63  }
0x6e: {  	_ = 	snop  }
0x6f: {  	[tilespmem:s7], [sflag:$0x1] =	stream.indirect_vreg.gather [hbm4b:s1+s3], $0x80, v3, vm0, $0xb8;
	[tilespmem:$0x10100] =	vst v63  }
0x70: {  	s13 =	simm.s32 $0x80;
	s0 =	rddreg [dreg:$0x5]  }
0x71: {  	[tilespmem:s13], [sflag:$0x5] =	stream.linear.gather [hbm4b:s0+s3], $0x80, $0x38;
	[tilespmem:$0x10100] =	vst v63  }
0x72: {  	_ =	swait.ge [sflag:s5], $0x80  }
0x73: {  	[sflag:s5] =	ssyncset.done $0x0  }
0x74: {  	[sflag:s5] =	ssyncadd.s32 $0xFFFFFF80  }
0x75: {  	v3 =	vld [tilespmem:$0x80];
	_ =	sdelay $0x4  }
0x76: {  	v40 =	vshll.u32 v3, $0x1  }
0x77: {  	v3 =	vand.u32 $0x7, v3;
	v4 =	vand.u32 $0xFFFFFFF0, v40  }
0x78: {  	v3 =	vor.u32 v3, v4  }
0x79: {  	v4 =	vperm.xlane v3, v0;
	_ =	sdelay $0x1  }
0x7a: {  	v3 =	vperm.xlane v3, v2;
	v4 =	vadd.s32 v1, v4;
	_ =	sdelay $0x1  }
0x7b: {  	v3 =	vadd.s32 v1, v3;
	_ =	sdelay $0x1  }
0x7c: {  	s0 =	simm.s32 $0x8100  }
0x7d: {  	[tilespmem:s0], [sflag:$0x2] =	stream.indirect_vreg.gather [hbm4b:s1+s3], $0x80, v4, vm0, $0xb8;
	[tilespmem:$0x10100] =	vst v63  }
0x7e: {  	_ = 	snop  }
0x7f: {  	[tilespmem:s9], [sflag:$0x2] =	stream.indirect_vreg.gather [hbm4b:s1+s3], $0x80, v3, vm0, $0xb8;
	[tilespmem:$0x10100] =	vst v63  }
0x80: {  	v3 =	vld [tilespmem:$0x90];
	_ =	sdelay $0x4  }
0x81: {  	v41 =	vshll.u32 v3, $0x1  }
0x82: {  	v3 =	vand.u32 $0x7, v3;
	v4 =	vand.u32 $0xFFFFFFF0, v41  }
0x83: {  	v3 =	vor.u32 v3, v4  }
0x84: {  	v4 =	vperm.xlane v3, v0;
	_ =	sdelay $0x1  }
0x85: {  	v3 =	vperm.xlane v3, v2;
	v4 =	vadd.s32 v1, v4;
	_ =	sdelay $0x1  }
0x86: {  	v3 =	vadd.s32 v1, v3;
	_ =	sdelay $0x2  }
0x87: {  	[tilespmem:s10], [sflag:$0x2] =	stream.indirect_vreg.gather [hbm4b:s1+s3], $0x80, v4, vm0, $0xb8;
	[tilespmem:$0x10100] =	vst v63  }
0x88: {  	_ = 	snop  }
0x89: {  	[tilespmem:s11], [sflag:$0x2] =	stream.indirect_vreg.gather [hbm4b:s1+s3], $0x80, v3, vm0, $0xb8;
	[tilespmem:$0x10100] =	vst v63  }
0x8a: {  	v3 =	vld [tilespmem:$0xA0];
	_ =	sdelay $0x4  }
0x8b: {  	v42 =	vshll.u32 v3, $0x1  }
0x8c: {  	v3 =	vand.u32 $0x7, v3;
	v4 =	vand.u32 $0xFFFFFFF0, v42  }
0x8d: {  	v3 =	vor.u32 v3, v4  }
0x8e: {  	v4 =	vperm.xlane v3, v0;
	_ =	sdelay $0x1  }
0x8f: {  	v3 =	vperm.xlane v3, v2;
	v4 =	vadd.s32 v1, v4;
	_ =	sdelay $0x1  }
0x90: {  	v3 =	vadd.s32 v1, v3;
	_ =	sdelay $0x2  }
0x91: {  	[tilespmem:s12], [sflag:$0x2] =	stream.indirect_vreg.gather [hbm4b:s1+s3], $0x80, v4, vm0, $0xb8;
	[tilespmem:$0x10100] =	vst v63  }
0x92: {  	_ = 	snop  }
0x93: {  	[tilespmem:s23], [sflag:$0x2] =	stream.indirect_vreg.gather [hbm4b:s1+s3], $0x80, v3, vm0, $0xb8;
	[tilespmem:$0x10100] =	vst v63  }
0x94: {  	v3 =	vld [tilespmem:$0xB0];
	_ =	sdelay $0x4  }
0x95: {  	v43 =	vshll.u32 v3, $0x1  }
0x96: {  	v3 =	vand.u32 $0x7, v3;
	v4 =	vand.u32 $0xFFFFFFF0, v43  }
0x97: {  	v3 =	vor.u32 v3, v4  }
0x98: {  	v4 =	vperm.xlane v3, v0;
	_ =	sdelay $0x1  }
0x99: {  	v3 =	vperm.xlane v3, v2;
	v4 =	vadd.s32 v1, v4;
	_ =	sdelay $0x1  }
0x9a: {  	v3 =	vadd.s32 v1, v3;
	_ =	sdelay $0x1  }
0x9b: {  	s13 =	simm.s32 $0xB100  }
0x9c: {  	[tilespmem:s13], [sflag:$0x2] =	stream.indirect_vreg.gather [hbm4b:s1+s3], $0x80, v4, vm0, $0xb8;
	[tilespmem:$0x10100] =	vst v63  }
0x9d: {  	s17 =	simm.s32 $0xB900  }
0x9e: {  	[tilespmem:s17], [sflag:$0x2] =	stream.indirect_vreg.gather [hbm4b:s1+s3], $0x80, v3, vm0, $0xb8;
	[tilespmem:$0x10100] =	vst v63  }
0x9f: {  	v3 =	vld [tilespmem:$0xC0];
	_ =	sdelay $0x4  }
0xa0: {  	v44 =	vshll.u32 v3, $0x1  }
0xa1: {  	v3 =	vand.u32 $0x7, v3;
	v4 =	vand.u32 $0xFFFFFFF0, v44  }
0xa2: {  	v3 =	vor.u32 v3, v4  }
0xa3: {  	v4 =	vperm.xlane v3, v0;
	_ =	sdelay $0x1  }
0xa4: {  	v3 =	vperm.xlane v3, v2;
	v4 =	vadd.s32 v1, v4;
	_ =	sdelay $0x1  }
0xa5: {  	v3 =	vadd.s32 v1, v3;
	_ =	sdelay $0x1  }
0xa6: {  	s17 =	simm.s32 $0xC100  }
0xa7: {  	[tilespmem:s17], [sflag:$0x2] =	stream.indirect_vreg.gather [hbm4b:s1+s3], $0x80, v4, vm0, $0xb8;
	[tilespmem:$0x10100] =	vst v63  }
0xa8: {  	s17 =	simm.s32 $0xC900  }
0xa9: {  	[tilespmem:s17], [sflag:$0x2] =	stream.indirect_vreg.gather [hbm4b:s1+s3], $0x80, v3, vm0, $0xb8;
	[tilespmem:$0x10100] =	vst v63  }
0xaa: {  	v3 =	vld [tilespmem:$0xD0];
	_ =	sdelay $0x4  }
0xab: {  	v45 =	vshll.u32 v3, $0x1  }
0xac: {  	v3 =	vand.u32 $0x7, v3;
	v4 =	vand.u32 $0xFFFFFFF0, v45  }
0xad: {  	v3 =	vor.u32 v3, v4  }
0xae: {  	v4 =	vperm.xlane v3, v0;
	_ =	sdelay $0x1  }
0xaf: {  	v3 =	vperm.xlane v3, v2;
	v4 =	vadd.s32 v1, v4;
	_ =	sdelay $0x1  }
0xb0: {  	v3 =	vadd.s32 v1, v3;
	_ =	sdelay $0x1  }
0xb1: {  	s17 =	simm.s32 $0xD100  }
0xb2: {  	[tilespmem:s17], [sflag:$0x2] =	stream.indirect_vreg.gather [hbm4b:s1+s3], $0x80, v4, vm0, $0xb8;
	[tilespmem:$0x10100] =	vst v63  }
0xb3: {  	s17 =	simm.s32 $0xD900  }
0xb4: {  	[tilespmem:s17], [sflag:$0x2] =	stream.indirect_vreg.gather [hbm4b:s1+s3], $0x80, v3, vm0, $0xb8;
	[tilespmem:$0x10100] =	vst v63  }
0xb5: {  	v3 =	vld [tilespmem:$0xE0];
	_ =	sdelay $0x4  }
0xb6: {  	v46 =	vshll.u32 v3, $0x1  }
0xb7: {  	v3 =	vand.u32 $0x7, v3;
	v4 =	vand.u32 $0xFFFFFFF0, v46  }
0xb8: {  	v3 =	vor.u32 v3, v4  }
0xb9: {  	v4 =	vperm.xlane v3, v0;
	_ =	sdelay $0x1  }
0xba: {  	v3 =	vperm.xlane v3, v2;
	v4 =	vadd.s32 v1, v4;
	_ =	sdelay $0x1  }
0xbb: {  	v3 =	vadd.s32 v1, v3;
	_ =	sdelay $0x1  }
0xbc: {  	s17 =	simm.s32 $0xE100  }
0xbd: {  	[tilespmem:s17], [sflag:$0x2] =	stream.indirect_vreg.gather [hbm4b:s1+s3], $0x80, v4, vm0, $0xb8;
	[tilespmem:$0x10100] =	vst v63  }
0xbe: {  	s17 =	simm.s32 $0xE900  }
0xbf: {  	[tilespmem:s17], [sflag:$0x2] =	stream.indirect_vreg.gather [hbm4b:s1+s3], $0x80, v3, vm0, $0xb8;
	[tilespmem:$0x10100] =	vst v63  }
0xc0: {  	v3 =	vld [tilespmem:$0xF0];
	_ =	sdelay $0x4  }
0xc1: {  	v47 =	vshll.u32 v3, $0x1  }
0xc2: {  	v3 =	vand.u32 $0x7, v3;
	v4 =	vand.u32 $0xFFFFFFF0, v47  }
0xc3: {  	v3 =	vor.u32 v3, v4  }
0xc4: {  	v4 =	vperm.xlane v3, v0;
	_ =	sdelay $0x1  }
0xc5: {  	v3 =	vperm.xlane v3, v2;
	v4 =	vadd.s32 v1, v4;
	_ =	sdelay $0x1  }
0xc6: {  	v3 =	vadd.s32 v1, v3;
	_ =	sdelay $0x1  }
0xc7: {  	s17 =	simm.s32 $0xF100  }
0xc8: {  	[tilespmem:s17], [sflag:$0x2] =	stream.indirect_vreg.gather [hbm4b:s1+s3], $0x80, v4, vm0, $0xb8;
	[tilespmem:$0x10100] =	vst v63  }
0xc9: {  	s17 =	simm.s32 $0xF900  }
0xca: {  	[tilespmem:s17], [sflag:$0x2] =	stream.indirect_vreg.gather [hbm4b:s1+s3], $0x80, v3, vm0, $0xb8;
	[tilespmem:$0x10100] =	vst v63  }
0xcb: {  	_ =	swait.ge [sflag:s8], $0x8000  }
0xcc: {  	[sflag:s8] =	ssyncset.done $0x0  }
0xcd: {  	s13 =	simm.s32 $0x100;
	s17 =	rddreg [dreg:$0x6];
	[sflag:s8] =	ssyncadd.s32 $0xFFFF8000  }
0xce: {  	[hbm4b:s17+s3] =	stream.linear.scatter [tilespmem:s13], [sflag:$0x3], $0x8000, $0x38;
	[tilespmem:$0x10100] =	vst v63  }
0xcf: {  	_ =	swait.ge [sflag:s14], $0x8000  }
0xd0: {  	[sflag:s14] =	ssyncset.done $0x0  }
0xd1: {  	s17 =	rddreg [dreg:$0x7];
	[sflag:s14] =	ssyncadd.s32 $0xFFFF8000  }
0xd2: {  	[hbm4b:s17+s3] =	stream.linear.scatter [tilespmem:s0], [sflag:$0x4], $0x8000, $0x38;
	[tilespmem:$0x10100] =	vst v63  }
0xd3: {  	_ =	swait.ge [sflag:s15], $0x8000  }
0xd4: {  	[sflag:s15] =	ssyncset.done $0x0  }
0xd5: {  	s17 =	rddreg [dreg:$0x8];
	[sflag:s15] =	ssyncadd.s32 $0xFFFF8000  }
0xd6: {  	[tilespmem:s3], [sflag:$0x5] =	stream.linear.gather [hbm4b:s17+s3], $0x80, $0x38;
	[tilespmem:$0x10100] =	vst v63  }
0xd7: {  	_ =	swait.ge [sflag:s5], $0x80  }
0xd8: {  	[sflag:s5] =	ssyncset.done $0x0  }
0xd9: {  	[sflag:s5] =	ssyncadd.s32 $0xFFFFFF80  }
0xda: {  	v3 =	vld [tilespmem:$0x0];
	_ =	sdelay $0x4  }
0xdb: {  	v48 =	vshll.u32 v3, $0x1  }
0xdc: {  	v3 =	vand.u32 $0x7, v3;
	v4 =	vand.u32 $0xFFFFFFF0, v48  }
0xdd: {  	v3 =	vor.u32 v3, v4  }
0xde: {  	v4 =	vperm.xlane v3, v0;
	_ =	sdelay $0x1  }
0xdf: {  	v3 =	vperm.xlane v3, v2;
	v4 =	vadd.s32 v1, v4;
	_ =	sdelay $0x1  }
0xe0: {  	v3 =	vadd.s32 v1, v3;
	_ =	sdelay $0x2  }
0xe1: {  	[tilespmem:s13], [sflag:$0x1] =	stream.indirect_vreg.gather [hbm4b:s1+s3], $0x80, v4, vm0, $0xb8;
	[tilespmem:$0x10100] =	vst v63  }
0xe2: {  	_ = 	snop  }
0xe3: {  	[tilespmem:s18], [sflag:$0x1] =	stream.indirect_vreg.gather [hbm4b:s1+s3], $0x80, v3, vm0, $0xb8;
	[tilespmem:$0x10100] =	vst v63  }
0xe4: {  	v3 =	vld [tilespmem:$0x10];
	_ =	sdelay $0x4  }
0xe5: {  	v49 =	vshll.u32 v3, $0x1  }
0xe6: {  	v3 =	vand.u32 $0x7, v3;
	v4 =	vand.u32 $0xFFFFFFF0, v49  }
0xe7: {  	v3 =	vor.u32 v3, v4  }
0xe8: {  	v4 =	vperm.xlane v3, v0;
	_ =	sdelay $0x1  }
0xe9: {  	v3 =	vperm.xlane v3, v2;
	v4 =	vadd.s32 v1, v4;
	_ =	sdelay $0x1  }
0xea: {  	v3 =	vadd.s32 v1, v3;
	_ =	sdelay $0x2  }
0xeb: {  	[tilespmem:s19], [sflag:$0x1] =	stream.indirect_vreg.gather [hbm4b:s1+s3], $0x80, v4, vm0, $0xb8;
	[tilespmem:$0x10100] =	vst v63  }
0xec: {  	_ = 	snop  }
0xed: {  	[tilespmem:s20], [sflag:$0x1] =	stream.indirect_vreg.gather [hbm4b:s1+s3], $0x80, v3, vm0, $0xb8;
	[tilespmem:$0x10100] =	vst v63  }
0xee: {  	v3 =	vld [tilespmem:$0x20];
	_ =	sdelay $0x4  }
0xef: {  	v50 =	vshll.u32 v3, $0x1  }
0xf0: {  	v3 =	vand.u32 $0x7, v3;
	v4 =	vand.u32 $0xFFFFFFF0, v50  }
0xf1: {  	v3 =	vor.u32 v3, v4  }
0xf2: {  	v4 =	vperm.xlane v3, v0;
	_ =	sdelay $0x1  }
0xf3: {  	v3 =	vperm.xlane v3, v2;
	v4 =	vadd.s32 v1, v4;
	_ =	sdelay $0x1  }
0xf4: {  	v3 =	vadd.s32 v1, v3;
	_ =	sdelay $0x2  }
0xf5: {  	[tilespmem:s21], [sflag:$0x1] =	stream.indirect_vreg.gather [hbm4b:s1+s3], $0x80, v4, vm0, $0xb8;
	[tilespmem:$0x10100] =	vst v63  }
0xf6: {  	_ = 	snop  }
0xf7: {  	[tilespmem:s22], [sflag:$0x1] =	stream.indirect_vreg.gather [hbm4b:s1+s3], $0x80, v3, vm0, $0xb8;
	[tilespmem:$0x10100] =	vst v63  }
0xf8: {  	v3 =	vld [tilespmem:$0x30];
	_ =	sdelay $0x4  }
0xf9: {  	v51 =	vshll.u32 v3, $0x1  }
0xfa: {  	v3 =	vand.u32 $0x7, v3;
	v4 =	vand.u32 $0xFFFFFFF0, v51  }
0xfb: {  	v3 =	vor.u32 v3, v4  }
0xfc: {  	v4 =	vperm.xlane v3, v0;
	_ =	sdelay $0x1  }
0xfd: {  	v3 =	vperm.xlane v3, v2;
	v4 =	vadd.s32 v1, v4;
	_ =	sdelay $0x1  }
0xfe: {  	v3 =	vadd.s32 v1, v3;
	_ =	sdelay $0x2  }
0xff: {  	[tilespmem:s24], [sflag:$0x1] =	stream.indirect_vreg.gather [hbm4b:s1+s3], $0x80, v4, vm0, $0xb8;
	[tilespmem:$0x10100] =	vst v63  }
0x100: {  	_ = 	snop  }
0x101: {  	[tilespmem:s25], [sflag:$0x1] =	stream.indirect_vreg.gather [hbm4b:s1+s3], $0x80, v3, vm0, $0xb8;
	[tilespmem:$0x10100] =	vst v63  }
0x102: {  	v3 =	vld [tilespmem:$0x40];
	_ =	sdelay $0x4  }
0x103: {  	v52 =	vshll.u32 v3, $0x1  }
0x104: {  	v3 =	vand.u32 $0x7, v3;
	v4 =	vand.u32 $0xFFFFFFF0, v52  }
0x105: {  	v3 =	vor.u32 v3, v4  }
0x106: {  	v4 =	vperm.xlane v3, v0;
	_ =	sdelay $0x1  }
0x107: {  	v3 =	vperm.xlane v3, v2;
	v4 =	vadd.s32 v1, v4;
	_ =	sdelay $0x1  }
0x108: {  	v3 =	vadd.s32 v1, v3;
	_ =	sdelay $0x2  }
0x109: {  	[tilespmem:s26], [sflag:$0x1] =	stream.indirect_vreg.gather [hbm4b:s1+s3], $0x80, v4, vm0, $0xb8;
	[tilespmem:$0x10100] =	vst v63  }
0x10a: {  	_ = 	snop  }
0x10b: {  	[tilespmem:s28], [sflag:$0x1] =	stream.indirect_vreg.gather [hbm4b:s1+s3], $0x80, v3, vm0, $0xb8;
	[tilespmem:$0x10100] =	vst v63  }
0x10c: {  	v3 =	vld [tilespmem:$0x50];
	_ =	sdelay $0x4  }
0x10d: {  	v53 =	vshll.u32 v3, $0x1  }
0x10e: {  	v3 =	vand.u32 $0x7, v3;
	v4 =	vand.u32 $0xFFFFFFF0, v53  }
0x10f: {  	v3 =	vor.u32 v3, v4  }
0x110: {  	v4 =	vperm.xlane v3, v0;
	_ =	sdelay $0x1  }
0x111: {  	v3 =	vperm.xlane v3, v2;
	v4 =	vadd.s32 v1, v4;
	_ =	sdelay $0x1  }
0x112: {  	v3 =	vadd.s32 v1, v3;
	_ =	sdelay $0x2  }
0x113: {  	[tilespmem:s29], [sflag:$0x1] =	stream.indirect_vreg.gather [hbm4b:s1+s3], $0x80, v4, vm0, $0xb8;
	[tilespmem:$0x10100] =	vst v63  }
0x114: {  	_ = 	snop  }
0x115: {  	[tilespmem:s30], [sflag:$0x1] =	stream.indirect_vreg.gather [hbm4b:s1+s3], $0x80, v3, vm0, $0xb8;
	[tilespmem:$0x10100] =	vst v63  }
0x116: {  	v3 =	vld [tilespmem:$0x60];
	_ =	sdelay $0x4  }
0x117: {  	v54 =	vshll.u32 v3, $0x1  }
0x118: {  	v3 =	vand.u32 $0x7, v3;
	v4 =	vand.u32 $0xFFFFFFF0, v54  }
0x119: {  	v3 =	vor.u32 v3, v4  }
0x11a: {  	v4 =	vperm.xlane v3, v0;
	_ =	sdelay $0x1  }
0x11b: {  	v3 =	vperm.xlane v3, v2;
	v4 =	vadd.s32 v1, v4;
	_ =	sdelay $0x1  }
0x11c: {  	v3 =	vadd.s32 v1, v3;
	_ =	sdelay $0x2  }
0x11d: {  	[tilespmem:s31], [sflag:$0x1] =	stream.indirect_vreg.gather [hbm4b:s1+s3], $0x80, v4, vm0, $0xb8;
	[tilespmem:$0x10100] =	vst v63  }
0x11e: {  	_ = 	snop  }
0x11f: {  	[tilespmem:s6], [sflag:$0x1] =	stream.indirect_vreg.gather [hbm4b:s1+s3], $0x80, v3, vm0, $0xb8;
	[tilespmem:$0x10100] =	vst v63  }
0x120: {  	v3 =	vld [tilespmem:$0x70];
	_ =	sdelay $0x4  }
0x121: {  	v55 =	vshll.u32 v3, $0x1  }
0x122: {  	v3 =	vand.u32 $0x7, v3;
	v4 =	vand.u32 $0xFFFFFFF0, v55  }
0x123: {  	v3 =	vor.u32 v3, v4  }
0x124: {  	v4 =	vperm.xlane v3, v0;
	_ =	sdelay $0x1  }
0x125: {  	v3 =	vperm.xlane v3, v2;
	v4 =	vadd.s32 v1, v4;
	_ =	sdelay $0x1  }
0x126: {  	v3 =	vadd.s32 v1, v3;
	_ =	sdelay $0x2  }
0x127: {  	[tilespmem:s2], [sflag:$0x1] =	stream.indirect_vreg.gather [hbm4b:s1+s3], $0x80, v4, vm0, $0xb8;
	[tilespmem:$0x10100] =	vst v63  }
0x128: {  	_ = 	snop  }
0x129: {  	[tilespmem:s7], [sflag:$0x1] =	stream.indirect_vreg.gather [hbm4b:s1+s3], $0x80, v3, vm0, $0xb8;
	[tilespmem:$0x10100] =	vst v63  }
0x12a: {  	_ =	swait.ge [sflag:s16], $0x8000  }
0x12b: {  	[sflag:s16] =	ssyncset.done $0x0  }
0x12c: {  	s2 =	simm.s32 $0x80;
	s17 =	rddreg [dreg:$0x9];
	[sflag:s16] =	ssyncadd.s32 $0xFFFF8000  }
0x12d: {  	[tilespmem:s2], [sflag:$0x5] =	stream.linear.gather [hbm4b:s17+s3], $0x80, $0x38;
	[tilespmem:$0x10100] =	vst v63  }
0x12e: {  	_ =	swait.ge [sflag:s5], $0x80  }
0x12f: {  	[sflag:s5] =	ssyncset.done $0x0  }
0x130: {  	[sflag:s5] =	ssyncadd.s32 $0xFFFFFF80  }
0x131: {  	v3 =	vld [tilespmem:$0x80];
	_ =	sdelay $0x4  }
0x132: {  	v56 =	vshll.u32 v3, $0x1  }
0x133: {  	v3 =	vand.u32 $0x7, v3;
	v4 =	vand.u32 $0xFFFFFFF0, v56  }
0x134: {  	v3 =	vor.u32 v3, v4  }
0x135: {  	v4 =	vperm.xlane v3, v0;
	_ =	sdelay $0x1  }
0x136: {  	v3 =	vperm.xlane v3, v2;
	v4 =	vadd.s32 v1, v4;
	_ =	sdelay $0x1  }
0x137: {  	v3 =	vadd.s32 v1, v3;
	_ =	sdelay $0x2  }
0x138: {  	[tilespmem:s0], [sflag:$0x2] =	stream.indirect_vreg.gather [hbm4b:s1+s3], $0x80, v4, vm0, $0xb8;
	[tilespmem:$0x10100] =	vst v63  }
0x139: {  	_ = 	snop  }
0x13a: {  	[tilespmem:s9], [sflag:$0x2] =	stream.indirect_vreg.gather [hbm4b:s1+s3], $0x80, v3, vm0, $0xb8;
	[tilespmem:$0x10100] =	vst v63  }
0x13b: {  	v3 =	vld [tilespmem:$0x90];
	_ =	sdelay $0x4  }
0x13c: {  	v57 =	vshll.u32 v3, $0x1  }
0x13d: {  	v3 =	vand.u32 $0x7, v3;
	v4 =	vand.u32 $0xFFFFFFF0, v57  }
0x13e: {  	v3 =	vor.u32 v3, v4  }
0x13f: {  	v4 =	vperm.xlane v3, v0;
	_ =	sdelay $0x1  }
0x140: {  	v3 =	vperm.xlane v3, v2;
	v4 =	vadd.s32 v1, v4;
	_ =	sdelay $0x1  }
0x141: {  	v3 =	vadd.s32 v1, v3;
	_ =	sdelay $0x2  }
0x142: {  	[tilespmem:s10], [sflag:$0x2] =	stream.indirect_vreg.gather [hbm4b:s1+s3], $0x80, v4, vm0, $0xb8;
	[tilespmem:$0x10100] =	vst v63  }
0x143: {  	_ = 	snop  }
0x144: {  	[tilespmem:s11], [sflag:$0x2] =	stream.indirect_vreg.gather [hbm4b:s1+s3], $0x80, v3, vm0, $0xb8;
	[tilespmem:$0x10100] =	vst v63  }
0x145: {  	v3 =	vld [tilespmem:$0xA0];
	_ =	sdelay $0x4  }
0x146: {  	v58 =	vshll.u32 v3, $0x1  }
0x147: {  	v3 =	vand.u32 $0x7, v3;
	v4 =	vand.u32 $0xFFFFFFF0, v58  }
0x148: {  	v3 =	vor.u32 v3, v4  }
0x149: {  	v4 =	vperm.xlane v3, v0;
	_ =	sdelay $0x1  }
0x14a: {  	v3 =	vperm.xlane v3, v2;
	v4 =	vadd.s32 v1, v4;
	_ =	sdelay $0x1  }
0x14b: {  	v3 =	vadd.s32 v1, v3;
	_ =	sdelay $0x2  }
0x14c: {  	[tilespmem:s12], [sflag:$0x2] =	stream.indirect_vreg.gather [hbm4b:s1+s3], $0x80, v4, vm0, $0xb8;
	[tilespmem:$0x10100] =	vst v63  }
0x14d: {  	_ = 	snop  }
0x14e: {  	[tilespmem:s23], [sflag:$0x2] =	stream.indirect_vreg.gather [hbm4b:s1+s3], $0x80, v3, vm0, $0xb8;
	[tilespmem:$0x10100] =	vst v63  }
0x14f: {  	v3 =	vld [tilespmem:$0xB0];
	_ =	sdelay $0x4  }
0x150: {  	v59 =	vshll.u32 v3, $0x1  }
0x151: {  	v3 =	vand.u32 $0x7, v3;
	v4 =	vand.u32 $0xFFFFFFF0, v59  }
0x152: {  	v3 =	vor.u32 v3, v4  }
0x153: {  	v4 =	vperm.xlane v3, v0;
	_ =	sdelay $0x1  }
0x154: {  	v3 =	vperm.xlane v3, v2;
	v4 =	vadd.s32 v1, v4;
	_ =	sdelay $0x1  }
0x155: {  	v3 =	vadd.s32 v1, v3;
	_ =	sdelay $0x1  }
0x156: {  	s17 =	simm.s32 $0xB100  }
0x157: {  	[tilespmem:s17], [sflag:$0x2] =	stream.indirect_vreg.gather [hbm4b:s1+s3], $0x80, v4, vm0, $0xb8;
	[tilespmem:$0x10100] =	vst v63  }
0x158: {  	s17 =	simm.s32 $0xB900  }
0x159: {  	[tilespmem:s17], [sflag:$0x2] =	stream.indirect_vreg.gather [hbm4b:s1+s3], $0x80, v3, vm0, $0xb8;
	[tilespmem:$0x10100] =	vst v63  }
0x15a: {  	v3 =	vld [tilespmem:$0xC0];
	_ =	sdelay $0x4  }
0x15b: {  	v60 =	vshll.u32 v3, $0x1  }
0x15c: {  	v3 =	vand.u32 $0x7, v3;
	v4 =	vand.u32 $0xFFFFFFF0, v60  }
0x15d: {  	v3 =	vor.u32 v3, v4  }
0x15e: {  	v4 =	vperm.xlane v3, v0;
	_ =	sdelay $0x1  }
0x15f: {  	v3 =	vperm.xlane v3, v2;
	v4 =	vadd.s32 v1, v4;
	_ =	sdelay $0x1  }
0x160: {  	v3 =	vadd.s32 v1, v3;
	_ =	sdelay $0x1  }
0x161: {  	s17 =	simm.s32 $0xC100  }
0x162: {  	[tilespmem:s17], [sflag:$0x2] =	stream.indirect_vreg.gather [hbm4b:s1+s3], $0x80, v4, vm0, $0xb8;
	[tilespmem:$0x10100] =	vst v63  }
0x163: {  	s17 =	simm.s32 $0xC900  }
0x164: {  	[tilespmem:s17], [sflag:$0x2] =	stream.indirect_vreg.gather [hbm4b:s1+s3], $0x80, v3, vm0, $0xb8;
	[tilespmem:$0x10100] =	vst v63  }
0x165: {  	v3 =	vld [tilespmem:$0xD0];
	_ =	sdelay $0x4  }
0x166: {  	v61 =	vshll.u32 v3, $0x1  }
0x167: {  	v3 =	vand.u32 $0x7, v3;
	v4 =	vand.u32 $0xFFFFFFF0, v61  }
0x168: {  	v3 =	vor.u32 v3, v4  }
0x169: {  	v4 =	vperm.xlane v3, v0;
	_ =	sdelay $0x1  }
0x16a: {  	v3 =	vperm.xlane v3, v2;
	v4 =	vadd.s32 v1, v4;
	_ =	sdelay $0x1  }
0x16b: {  	v3 =	vadd.s32 v1, v3;
	_ =	sdelay $0x1  }
0x16c: {  	s17 =	simm.s32 $0xD100  }
0x16d: {  	[tilespmem:s17], [sflag:$0x2] =	stream.indirect_vreg.gather [hbm4b:s1+s3], $0x80, v4, vm0, $0xb8;
	[tilespmem:$0x10100] =	vst v63  }
0x16e: {  	s17 =	simm.s32 $0xD900  }
0x16f: {  	[tilespmem:s17], [sflag:$0x2] =	stream.indirect_vreg.gather [hbm4b:s1+s3], $0x80, v3, vm0, $0xb8;
	[tilespmem:$0x10100] =	vst v63  }
0x170: {  	v3 =	vld [tilespmem:$0xE0];
	_ =	sdelay $0x4  }
0x171: {  	v62 =	vshll.u32 v3, $0x1  }
0x172: {  	v3 =	vand.u32 $0x7, v3;
	v4 =	vand.u32 $0xFFFFFFF0, v62  }
0x173: {  	v3 =	vor.u32 v3, v4  }
0x174: {  	v4 =	vperm.xlane v3, v0;
	_ =	sdelay $0x1  }
0x175: {  	v3 =	vperm.xlane v3, v2;
	v4 =	vadd.s32 v1, v4;
	_ =	sdelay $0x1  }
0x176: {  	v3 =	vadd.s32 v1, v3;
	_ =	sdelay $0x1  }
0x177: {  	s17 =	simm.s32 $0xE100  }
0x178: {  	[tilespmem:s17], [sflag:$0x2] =	stream.indirect_vreg.gather [hbm4b:s1+s3], $0x80, v4, vm0, $0xb8;
	[tilespmem:$0x10100] =	vst v63  }
0x179: {  	s17 =	simm.s32 $0xE900  }
0x17a: {  	[tilespmem:s17], [sflag:$0x2] =	stream.indirect_vreg.gather [hbm4b:s1+s3], $0x80, v3, vm0, $0xb8;
	[tilespmem:$0x10100] =	vst v63  }
0x17b: {  	v3 =	vld [tilespmem:$0xF0];
	_ =	sdelay $0x4  }
0x17c: {  	v63 =	vshll.u32 v3, $0x1  }
0x17d: {  	v3 =	vand.u32 $0x7, v3;
	v4 =	vand.u32 $0xFFFFFFF0, v63  }
0x17e: {  	v3 =	vor.u32 v3, v4  }
0x17f: {  	v4 =	vperm.xlane v3, v0;
	_ =	sdelay $0x1  }
0x180: {  	v3 =	vperm.xlane v3, v2;
	v4 =	vadd.s32 v1, v4;
	_ =	sdelay $0x1  }
0x181: {  	v3 =	vadd.s32 v1, v3;
	_ =	sdelay $0x1  }
0x182: {  	s17 =	simm.s32 $0xF100  }
0x183: {  	[tilespmem:s17], [sflag:$0x2] =	stream.indirect_vreg.gather [hbm4b:s1+s3], $0x80, v4, vm0, $0xb8;
	[tilespmem:$0x10100] =	vst v63  }
0x184: {  	s17 =	simm.s32 $0xF900  }
0x185: {  	[tilespmem:s17], [sflag:$0x2] =	stream.indirect_vreg.gather [hbm4b:s1+s3], $0x80, v3, vm0, $0xb8;
	[tilespmem:$0x10100] =	vst v63  }
0x186: {  	_ =	swait.ge [sflag:s8], $0x8000  }
0x187: {  	[sflag:s8] =	ssyncset.done $0x0  }
0x188: {  	s13 =	simm.s32 $0x100;
	s2 =	rddreg [dreg:$0xa];
	[sflag:s8] =	ssyncadd.s32 $0xFFFF8000  }
0x189: {  	[hbm4b:s2+s3] =	stream.linear.scatter [tilespmem:s13], [sflag:$0x3], $0x8000, $0x38;
	[tilespmem:$0x10100] =	vst v63  }
0x18a: {  	_ =	swait.ge [sflag:s14], $0x8000  }
0x18b: {  	[sflag:s14] =	ssyncset.done $0x0  }
0x18c: {  	s13 =	rddreg [dreg:$0xb];
	[sflag:s14] =	ssyncadd.s32 $0xFFFF8000  }
0x18d: {  	[hbm4b:s13+s3] =	stream.linear.scatter [tilespmem:s0], [sflag:$0x4], $0x8000, $0x38;
	[tilespmem:$0x10100] =	vst v63  }
0x18e: {  	p0 =	sne.s32 s4, $0x1;
	_ =	swait.ge [sflag:s15], $0x8000  }
.Ltmp0:
0x18f: {  	[sflag:s15] =	ssyncset.done $0x0;
	(pc) =	sbr.rel @p0 .LBB2_1-.Ltmp0, $4  }
0x190: {  	[sflag:s15] =	ssyncadd.s32 $0xFFFF8000  }
0x191: {  	_ =	swait.ge [sflag:s16], $0x8000  }
0x192: {  	[sflag:s16] =	ssyncset.done $0x0  }
0x193: {  	s4 =	sadd.s32 $0xFFFFFFFF, s4;
	[sflag:s16] =	ssyncadd.s32 $0xFFFF8000  }
0x194: {  	_ =	sfence.sel $0x180000  }
0x195: {  	[bflag:$0x0] =	sbarrier.arrive $0xFFFF  }
0x196: {  	_ =	strace $0x90000047  }
0x197: {  	s0 =	stileid.u32;
	[bflag:$0x2] =	sbarrier.arrive $0xFFFF  }
0x198: {  	p0 =	sne.s32 s0, $0x0;
	s0 =	rddreg [dreg:$0x3]  }
0x199: {  	s0 =	sadd.s32 @!p0 $0x100000, s0  }
0x19a: {  	[sflag:s0] =	ssyncadd.tile.s32 @!p0 $0x1;
	_ =	shalt  }
.Lfunc_end2:
_tile_overlayer_lowered:
.L_overlay_start_2:
0x19b: {  	(tag) =	ssettag $0x2  }
0x19c: {  	s0 =	rddreg [dreg:$0x0];
	s2 =	stileid.u32  }
0x19d: {  	s1 =	rddreg [dreg:$0x1];
	p0 =	sne.s32 s2, $0x0  }
0x19e: {  	s3 =	rddreg [dreg:$0x2];
	[bflag:$0x3] =	sbarrier.arrive $0xFFFF;
	s2 =	simm.s32 @!p0 $0x1C05  }
0x19f: {  	[timem:s3], [sflag:s2] =	dma.local @!p0 [hbm:s0], s1  }
0x1a0: {  	s0 =	simm.s32 @!p0 $0x5  }
0x1a1: {  	_ =	swait.ge @!p0 [sflag:s0], s1  }
0x1a2: {  	s1 =	ssub.s32 @!p0 $0x0, s1;
	[sflag:s0] =	ssyncset.done @!p0 $0x0  }
0x1a3: {  	[sflag:s0] =	ssyncadd.s32 @!p0 s1  }
0x1a4: {  	[bflag:$0x3] =	sbarrier.arrive $0xFFFF  }
0x1a5: {  	_ =	shalt  }

</sc_bundles>
